<compile_context>
chip_gen: v7x
topology: tpu7x:2x2x1
jax: 0.10.2.dev20260603
libtpu: 0.0.44.dev20260713+nightly
codegen_flags: <defaults>
</compile_context>

<pallas_src>
import functools

import jax
import jax.numpy as jnp
from jax import lax
from jax.experimental import pallas as pl
from jax.experimental.pallas import tpu as pltpu
from jax.experimental.pallas import tpu_sc as plsc

B = 8
ATOMS_PER = 1250
EDGES_PER = 20000
ANGLES_PER = 40000
N_ATOMS = B * ATOMS_PER
N_EDGES = B * EDGES_PER
N_ANGLES = B * ANGLES_PER
FEATURE_DIM = 128
ANGLE_DIM = 16
MAX_N = 4
CUTOFF = 5.0
TB_CUTOFF = 4.0
EPS = 1e-8

_SC_MESH = dict(core_axis_name="c", subcore_axis_name="s")
NUM_SC = 2
NUM_TILES = 32


def _swish(x):
    return x * jax.nn.sigmoid(x)


@functools.partial(jax.jit, static_argnames=("window",))
def _sc_gather(table, idx, window=128):
    m = idx.shape[0]
    n, d = table.shape
    idx2 = idx.reshape(1, m)
    mesh = plsc.VectorSubcoreMesh(**_SC_MESH)

    @functools.partial(
        pl.kernel,
        mesh=mesh,
        out_type=jax.ShapeDtypeStruct((m, d), table.dtype),
        compiler_params=pltpu.CompilerParams(use_tc_tiling_on_sc=False),
    )
    def k(x_hbm, i_hbm, o_hbm):
        def body(i_vmem, o_vmem):
            pltpu.sync_copy(x_hbm.at[i_vmem.at[0]], o_vmem)

        pltpu.emit_pipeline(
            body,
            grid=(m // window,),
            in_specs=[pl.BlockSpec((1, window), index_map=lambda i: (0, i))],
            out_specs=[pl.BlockSpec((window, d), index_map=lambda i: (i, 0))],
            core_axis_name=("c", "s"),
            dimension_semantics=(pltpu.PARALLEL,),
        )(i_hbm, o_hbm)

    return k(table, idx2)


@functools.partial(jax.jit, static_argnames=("w",))
def _sc_scatter_add(rows, idx, zeros, w):
    m, d = rows.shape
    ch = 128
    per_tile = m // NUM_TILES
    n_full = per_tile // ch
    rem = per_tile - n_full * ch
    wslice = w // 16
    mesh = plsc.VectorSubcoreMesh(**_SC_MESH)
    scratch = [
        pltpu.VMEM((ch,), jnp.int32),
        pltpu.VMEM((ch, d), jnp.float32),
        pltpu.VMEM_SHARED((w, d), jnp.float32),
    ]
    if rem:
        scratch.append(pltpu.VMEM((rem,), jnp.int32))

    @functools.partial(
        pl.kernel,
        mesh=mesh,
        out_type=jax.ShapeDtypeStruct((NUM_SC, w, d), jnp.float32),
        scratch_types=scratch,
        compiler_params=pltpu.CompilerParams(use_tc_tiling_on_sc=False),
    )
    def k(rows_hbm, idx_hbm, z_hbm, out_hbm, idxv, rowsv, acc, *maybe_idxr):
        c = lax.axis_index("c")
        s = lax.axis_index("s")
        pltpu.sync_copy(z_hbm, acc.at[pl.ds(s * wslice, wslice)])
        plsc.subcore_barrier()
        base = (c * 16 + s) * per_tile

        @pl.loop(0, n_full)
        def _(i):
            off = base + i * ch
            pltpu.sync_copy(idx_hbm.at[pl.ds(off, ch)], idxv)
            pltpu.sync_copy(rows_hbm.at[pl.ds(off, ch)], rowsv)
            pltpu.sync_copy(rowsv, acc.at[idxv], add=True)

        if rem:
            idxr = maybe_idxr[0]
            off = base + n_full * ch
            pltpu.sync_copy(idx_hbm.at[pl.ds(off, rem)], idxr)
            pltpu.sync_copy(rows_hbm.at[pl.ds(off, rem)], rowsv.at[pl.ds(0, rem)])
            pltpu.sync_copy(rowsv.at[pl.ds(0, rem)], acc.at[idxr], add=True)
        plsc.subcore_barrier()
        pltpu.sync_copy(
            acc.at[pl.ds(s * wslice, wslice)],
            out_hbm.at[c, pl.ds(s * wslice, wslice)],
        )

    return k(rows, idx, zeros)


@jax.jit
def _sc_dstik(dst, ikl):
    m = N_ANGLES
    per_tile = m // NUM_TILES
    slab = 2000
    n_slab = per_tile // slab
    mesh = plsc.VectorSubcoreMesh(**_SC_MESH)

    @functools.partial(
        pl.kernel,
        mesh=mesh,
        out_type=jax.ShapeDtypeStruct((m,), jnp.int32),
        scratch_types=[
            pltpu.VMEM((EDGES_PER,), jnp.int32),
            pltpu.VMEM((slab,), jnp.int32),
            pltpu.VMEM((slab,), jnp.int32),
        ],
        compiler_params=pltpu.CompilerParams(
            use_tc_tiling_on_sc=False, needs_layout_passes=False
        ),
    )
    def k(dst_hbm, ikl_hbm, out_hbm, dslice, ikv, ov):
        c = lax.axis_index("c")
        s = lax.axis_index("s")
        base = (c * 16 + s) * per_tile
        boff = pl.multiple_of((base // ANGLES_PER) * EDGES_PER, 8)
        pltpu.sync_copy(dst_hbm.at[pl.ds(boff, EDGES_PER)], dslice)

        @pl.loop(0, n_slab)
        def _(i):
            off = base + i * slab
            pltpu.sync_copy(ikl_hbm.at[pl.ds(off, slab)], ikv)

            @pl.loop(0, slab // 16)
            def _(j):
                idx = ikv[pl.ds(j * 16, 16)]
                ov[pl.ds(j * 16, 16)] = plsc.load_gather(dslice, [idx])

            pltpu.sync_copy(ov, out_hbm.at[pl.ds(off, slab)])

    return k(dst, ikl)


@functools.partial(jax.jit, static_argnames=("w_win",))
def _sc_angle_stage(gate, ik, ij_loc, wbasis, zeros, w_win):
    m = ik.shape[0]
    d = gate.shape[1]
    ch = 128
    per_tile = m // NUM_TILES
    n_full = per_tile // ch
    rem = per_tile - n_full * ch
    wslice = w_win // 16
    mesh = plsc.VectorSubcoreMesh(**_SC_MESH)
    scratch = [
        pltpu.VMEM((ch,), jnp.int32),
        pltpu.VMEM((ch,), jnp.int32),
        pltpu.VMEM((ch, d), jnp.float32),
        pltpu.VMEM((ch, d), jnp.float32),
        pltpu.VMEM_SHARED((w_win, d), jnp.float32),
        pltpu.SemaphoreType.DMA,
    ]
    if rem:
        scratch.append(pltpu.VMEM((rem,), jnp.int32))
        scratch.append(pltpu.VMEM((rem,), jnp.int32))

    @functools.partial(
        pl.kernel,
        mesh=mesh,
        out_type=jax.ShapeDtypeStruct((NUM_SC, w_win, d), jnp.float32),
        scratch_types=scratch,
        compiler_params=pltpu.CompilerParams(use_tc_tiling_on_sc=False),
    )
    def k(gate_hbm, ik_hbm, ij_hbm, w_hbm, z_hbm, out_hbm,
          ikv, ijv, gbuf, wbuf, acc, sem, *rest):
        c = lax.axis_index("c")
        s = lax.axis_index("s")
        pltpu.sync_copy(z_hbm, acc.at[pl.ds(s * wslice, wslice)])
        plsc.subcore_barrier()
        base = (c * 16 + s) * per_tile

        def do_chunk(off, nn, ikr, ijr):
            pltpu.sync_copy(ik_hbm.at[pl.ds(off, nn)], ikr)
            pltpu.async_copy(gate_hbm.at[ikr], gbuf.at[pl.ds(0, nn)], sem).wait()
            pltpu.sync_copy(w_hbm.at[pl.ds(off, nn)], wbuf.at[pl.ds(0, nn)])

            @pl.loop(0, nn)
            def _(r):
                wbuf[r, :] = wbuf[r, :] * gbuf[r, :]

            pltpu.sync_copy(ij_hbm.at[pl.ds(off, nn)], ijr)
            pltpu.sync_copy(wbuf.at[pl.ds(0, nn)], acc.at[ijr], add=True)

        @pl.loop(0, n_full)
        def _(i):
            do_chunk(base + i * ch, ch, ikv, ijv)

        if rem:
            do_chunk(base + n_full * ch, rem, rest[0], rest[1])
        plsc.subcore_barrier()
        pltpu.sync_copy(
            acc.at[pl.ds(s * wslice, wslice)],
            out_hbm.at[c, pl.ds(s * wslice, wslice)],
        )

    return k(gate, ik, ij_loc, wbasis, zeros)


_EB_GEOM = 2000


def _lane_iota():
    return jax.lax.broadcasted_iota(jnp.int32, (16, 16), 1)


def _row_iota():
    return jax.lax.broadcasted_iota(jnp.int32, (16, 16), 0)


_PACK = 8
_NEP = N_EDGES // _PACK
_NAP = N_ANGLES // _PACK
_EBP_GEOM = 2000


def _iota2(shape, dim):
    return jax.lax.broadcasted_iota(jnp.int32, shape, dim)


def _tc_edge_geom_body(ps_ref, pd_ref, eoff_ref, cell_ref, egeo_ref,
                       ef0_ref):
    pid = pl.program_id(0)
    row0 = pid * _EBP_GEOM
    ba = (row0 * _PACK) // EDGES_PER
    bb = ((row0 + _EBP_GEOM) * _PACK - 1) // EDGES_PER
    row = _iota2((128, 128), 0)
    lane = _iota2((128, 128), 1)
    grp = (row // 16 == lane // 16)
    ri = row % 16
    li = lane % 16
    cma = jnp.zeros((128, 128), jnp.float32)
    cmb = jnp.zeros((128, 128), jnp.float32)
    for i in range(3):
        for j in range(3):
            sel = (grp & (ri == i) & (li == j)).astype(jnp.float32)
            cma = cma + cell_ref[ba, 3 * i + j] * sel
            cmb = cmb + cell_ref[bb, 3 * i + j] * sel
    offa = jnp.dot(eoff_ref[...], cma, preferred_element_type=jnp.float32)
    offb = jnp.dot(eoff_ref[...], cmb, preferred_element_type=jnp.float32)
    rowg = _iota2((_EBP_GEOM, 1), 0) + row0
    ina = (rowg * _PACK // EDGES_PER == ba).astype(jnp.float32)
    off = offa * ina + offb * (1.0 - ina)
    lanes1 = _iota2((1, 128), 1) % 16
    mask3 = (lanes1 < 3).astype(jnp.float32)
    vec = (pd_ref[...] - ps_ref[...]) * mask3 + off
    sel3 = (grp & (ri < 3)).astype(jnp.float32)
    d2 = jnp.dot(vec * vec, sel3, preferred_element_type=jnp.float32)
    dist = jnp.sqrt(d2)
    inv = 1.0 / (dist + EPS)
    scale = jnp.sqrt(2.0 / CUTOFF)
    nvec = jnp.where(lanes1 < MAX_N, lanes1 + 1, 0).astype(jnp.float32)
    ef0 = scale * jnp.sin((jnp.pi / CUTOFF) * dist * nvec) * inv
    lane3 = (lanes1 == 3).astype(jnp.float32)
    egeo_ref[...] = vec + dist * lane3
    ef0_ref[...] = ef0


def _tc_edge_geom(psp, pdp, eoffp, cell9):
    grid = (_NEP // _EBP_GEOM,)
    spec = pl.BlockSpec((_EBP_GEOM, 128), lambda i: (i, 0))
    return pl.pallas_call(
        _tc_edge_geom_body,
        grid=grid,
        in_specs=[
            spec,
            spec,
            spec,
            pl.BlockSpec(memory_space=pltpu.SMEM),
        ],
        out_specs=[spec, spec],
        out_shape=[
            jax.ShapeDtypeStruct((_NEP, 128), jnp.float32),
            jax.ShapeDtypeStruct((_NEP, 128), jnp.float32),
        ],
    )(psp, pdp, eoffp, cell9)


def _tc_edge_enc_body(ef0p_ref, encbig_ref, encb8_ref, ef_ref):
    ef_ref[...] = _swish(
        jnp.dot(ef0p_ref[...], encbig_ref[...],
                preferred_element_type=jnp.float32)
        + encb8_ref[...]
    )


def _tc_edge_enc(ef0p, encbig, encb8):
    eb = 1000
    grid = (_NEP // eb,)
    return pl.pallas_call(
        _tc_edge_enc_body,
        grid=grid,
        in_specs=[
            pl.BlockSpec((eb, 128), lambda i: (i, 0)),
            pl.BlockSpec((128, _PACK * FEATURE_DIM), lambda i: (0, 0)),
            pl.BlockSpec((1, _PACK * FEATURE_DIM), lambda i: (0, 0)),
        ],
        out_specs=pl.BlockSpec((eb, _PACK * FEATURE_DIM), lambda i: (i, 0)),
        out_shape=jax.ShapeDtypeStruct((_NEP, _PACK * FEATURE_DIM),
                                       jnp.float32),
    )(ef0p, encbig, encb8)


_AB_GEOM = 4000


def _tc_angle_geom_body(gij_ref, gik_ref, w_ref):
    row = _iota2((128, 128), 0)
    lane = _iota2((128, 128), 1)
    grp = (row // 16 == lane // 16)
    sel3 = (grp & (row % 16 < 3)).astype(jnp.float32)
    selr3 = (grp & (row % 16 == 3)).astype(jnp.float32)
    gij = gij_ref[...]
    gik = gik_ref[...]
    dot = jnp.dot(gij * gik, sel3, preferred_element_type=jnp.float32)
    dij = jnp.dot(gij, selr3, preferred_element_type=jnp.float32)
    dik = jnp.dot(gik, selr3, preferred_element_type=jnp.float32)
    cos = dot / (dij * dik + EPS)
    inv = 1.0 / (dik + EPS)
    lanes1 = _iota2((1, 128), 1) % 16
    nlane = (lanes1 // 4 + 1).astype(jnp.float32)
    g = jnp.sin((jnp.pi / TB_CUTOFF) * dik * nlane) * inv
    x = jnp.clip(dik / TB_CUTOFF, 0.0, 1.0)
    fc = 1.0 - 6.0 * x**5 + 15.0 * x**4 - 10.0 * x**3
    lsel = lanes1 % 4
    m0 = (lsel == 0).astype(jnp.float32)
    m1 = (lsel == 1).astype(jnp.float32)
    m2 = (lsel == 2).astype(jnp.float32)
    m3 = (lsel == 3).astype(jnp.float32)
    p_all = (
        m0
        + cos * m1
        + (0.5 * (3.0 * cos**2 - 1.0)) * m2
        + (0.5 * (5.0 * cos**3 - 3.0 * cos)) * m3
    )
    w_ref[...] = g * p_all * fc


def _tc_angle_geom(gijp, gikp):
    eb = 2000
    grid = (_NAP // eb,)
    spec = pl.BlockSpec((eb, 128), lambda i: (i, 0))
    return pl.pallas_call(
        _tc_angle_geom_body,
        grid=grid,
        in_specs=[spec, spec],
        out_specs=spec,
        out_shape=jax.ShapeDtypeStruct((_NAP, 128), jnp.float32),
    )(gijp, gikp)


_EB_GATE = 4000


def _tc_gate_body(aj_ref, w_ref, out_ref):
    out_ref[...] = jax.nn.sigmoid(
        jnp.dot(aj_ref[...], w_ref[...], preferred_element_type=jnp.float32)
    )


def _tc_gate(aj, gate_W):
    n, _ = aj.shape
    eb = 2000
    grid = (n // eb,)
    return pl.pallas_call(
        _tc_gate_body,
        grid=grid,
        in_specs=[
            pl.BlockSpec((eb, FEATURE_DIM), lambda i: (i, 0)),
            pl.BlockSpec((FEATURE_DIM, ANGLE_DIM), lambda i: (0, 0)),
        ],
        out_specs=pl.BlockSpec((eb, ANGLE_DIM), lambda i: (i, 0)),
        out_shape=jax.ShapeDtypeStruct((n, ANGLE_DIM), jnp.float32),
    )(aj, gate_W)


_AB_MSG = 8000


def _tc_msg_body(w_ref, g_ref, out_ref):
    out_ref[...] = w_ref[...] * g_ref[...]


def _tc_msg(wp, gik_gate_p):
    eb = 4000
    grid = (_NAP // eb,)
    spec = pl.BlockSpec((eb, 128), lambda i: (i, 0))
    return pl.pallas_call(
        _tc_msg_body,
        grid=grid,
        in_specs=[spec, spec],
        out_specs=spec,
        out_shape=jax.ShapeDtypeStruct((_NAP, 128), jnp.float32),
    )(wp, gik_gate_p)


_EB_BLK = 1600


def _tc_edge_block_body(ai_ref, aj_ref, ef_ref, eagg_ref, ef0_ref,
                        wcat_ref, tbw_ref, tbb_ref, ew0_ref, aw0_ref,
                        efo_ref, amsg_ref):
    ef2 = ef_ref[...] + _swish(
        jnp.dot(eagg_ref[...], tbw_ref[...], preferred_element_type=jnp.float32)
        + tbb_ref[...]
    )
    feat = jnp.concatenate([ai_ref[...], aj_ref[...], ef2], axis=1)
    mm = jnp.dot(feat, wcat_ref[...], preferred_element_type=jnp.float32)
    ew = jnp.dot(ef0_ref[...], ew0_ref[...], preferred_element_type=jnp.float32)
    aw = jnp.dot(ef0_ref[...], aw0_ref[...], preferred_element_type=jnp.float32)
    d = FEATURE_DIM
    efo_ref[...] = ef2 + _swish(mm[:, :d]) * jax.nn.sigmoid(mm[:, d : 2 * d]) * ew
    amsg_ref[...] = (
        _swish(mm[:, 2 * d : 3 * d]) * jax.nn.sigmoid(mm[:, 3 * d :]) * aw
    )


def _tc_edge_block(ai, aj, ef, eagg, ef0, wcat, tbw, tbb, ew0, aw0):
    grid = (N_EDGES // _EB_BLK,)
    d = FEATURE_DIM
    return pl.pallas_call(
        _tc_edge_block_body,
        grid=grid,
        in_specs=[
            pl.BlockSpec((_EB_BLK, d), lambda i: (i, 0)),
            pl.BlockSpec((_EB_BLK, d), lambda i: (i, 0)),
            pl.BlockSpec((_EB_BLK, d), lambda i: (i, 0)),
            pl.BlockSpec((_EB_BLK, ANGLE_DIM), lambda i: (i, 0)),
            pl.BlockSpec((_EB_BLK, 16), lambda i: (i, 0)),
            pl.BlockSpec((3 * d, 4 * d), lambda i: (0, 0)),
            pl.BlockSpec((ANGLE_DIM, d), lambda i: (0, 0)),
            pl.BlockSpec((1, d), lambda i: (0, 0)),
            pl.BlockSpec((16, d), lambda i: (0, 0)),
            pl.BlockSpec((16, d), lambda i: (0, 0)),
        ],
        out_specs=[
            pl.BlockSpec((_EB_BLK, d), lambda i: (i, 0)),
            pl.BlockSpec((_EB_BLK, d), lambda i: (i, 0)),
        ],
        out_shape=[
            jax.ShapeDtypeStruct((N_EDGES, d), jnp.float32),
            jax.ShapeDtypeStruct((N_EDGES, d), jnp.float32),
        ],
    )(ai, aj, ef, eagg, ef0, wcat, tbw, tbb, ew0, aw0)


_ATB = 2000


def _tc_add3_body(a_ref, p0_ref, p1_ref, out_ref):
    out_ref[...] = a_ref[...] + p0_ref[...] + p1_ref[...]


def _tc_add3(a, p0, p1):
    grid = (N_ATOMS // _ATB,)
    d = FEATURE_DIM
    spec = pl.BlockSpec((_ATB, d), lambda i: (i, 0))
    return pl.pallas_call(
        _tc_add3_body,
        grid=grid,
        in_specs=[spec, spec, spec],
        out_specs=spec,
        out_shape=jax.ShapeDtypeStruct((N_ATOMS, d), jnp.float32),
    )(a, p0, p1)


def _tc_final_body(af_ref, w1_ref, b1_ref, w2_ref, b2_ref, w3r_ref, b3_ref,
                   out_ref):
    h = _swish(
        jnp.dot(af_ref[0], w1_ref[...], preferred_element_type=jnp.float32)
        + b1_ref[...]
    )
    h = _swish(
        jnp.dot(h, w2_ref[...], preferred_element_type=jnp.float32)
        + b2_ref[...]
    )
    s = jnp.sum(h * w3r_ref[...]) + ATOMS_PER * b3_ref[0, 0]
    out_ref[...] = jnp.broadcast_to(s, (1, 1, FEATURE_DIM))


def _tc_final(atom_f, w1, b1, w2, b2, w3r, b3):
    d = FEATURE_DIM
    af3 = atom_f.reshape(B, ATOMS_PER, d)
    return pl.pallas_call(
        _tc_final_body,
        grid=(B,),
        in_specs=[
            pl.BlockSpec((1, ATOMS_PER, d), lambda i: (i, 0, 0)),
            pl.BlockSpec((d, d), lambda i: (0, 0)),
            pl.BlockSpec((1, d), lambda i: (0, 0)),
            pl.BlockSpec((d, d), lambda i: (0, 0)),
            pl.BlockSpec((1, d), lambda i: (0, 0)),
            pl.BlockSpec((1, d), lambda i: (0, 0)),
            pl.BlockSpec(memory_space=pltpu.SMEM),
        ],
        out_specs=pl.BlockSpec((1, 1, FEATURE_DIM), lambda i: (i, 0, 0)),
        out_shape=jax.ShapeDtypeStruct((B, 1, FEATURE_DIM), jnp.float32),
    )(af3, w1, b1, w2, b2, w3r, b3)


def kernel(atomic_numbers, pos, edge_index, edge_offsets, cell, three_body_indices, total_num_atoms, total_num_edges, total_num_angles, embed_table, enc_W, enc_b, tb_gate_W_0, tb_edge_W_0, tb_edge_b_0, e_phi_W_0, e_sig_W_0, e_w0_0, a_phi_W_0, a_sig_W_0, a_w0_0, tb_gate_W_1, tb_edge_W_1, tb_edge_b_1, e_phi_W_1, e_sig_W_1, e_w0_1, a_phi_W_1, a_sig_W_1, a_w0_1, tb_gate_W_2, tb_edge_W_2, tb_edge_b_2, e_phi_W_2, e_sig_W_2, e_w0_2, a_phi_W_2, a_sig_W_2, a_w0_2, tb_gate_W_3, tb_edge_W_3, tb_edge_b_3, e_phi_W_3, e_sig_W_3, e_w0_3, a_phi_W_3, a_sig_W_3, a_w0_3, en_W1, en_b1, en_W2, en_b2, en_W3, en_b3):
    blocks = [
        (tb_gate_W_0, tb_edge_W_0, tb_edge_b_0, e_phi_W_0, e_sig_W_0, e_w0_0, a_phi_W_0, a_sig_W_0, a_w0_0),
        (tb_gate_W_1, tb_edge_W_1, tb_edge_b_1, e_phi_W_1, e_sig_W_1, e_w0_1, a_phi_W_1, a_sig_W_1, a_w0_1),
        (tb_gate_W_2, tb_edge_W_2, tb_edge_b_2, e_phi_W_2, e_sig_W_2, e_w0_2, a_phi_W_2, a_sig_W_2, a_w0_2),
        (tb_gate_W_3, tb_edge_W_3, tb_edge_b_3, e_phi_W_3, e_sig_W_3, e_w0_3, a_phi_W_3, a_sig_W_3, a_w0_3),
    ]

    src = edge_index[0].astype(jnp.int32)
    dst = edge_index[1].astype(jnp.int32)
    ab = (jnp.arange(N_ANGLES, dtype=jnp.int32) // ANGLES_PER)
    tbi = three_body_indices.astype(jnp.int32)
    ij_glob = tbi[:, 0] + ab * EDGES_PER
    ik_glob = tbi[:, 1] + ab * EDGES_PER
    ij_loc = tbi[:, 0] + (ab % (B // 2)) * EDGES_PER
    pos16 = jnp.pad(pos, ((0, 0), (0, 13)))
    cell9 = cell.reshape(B, 9)
    an_pad = jnp.pad(atomic_numbers.astype(jnp.int32), (0, 240))
    zeros16 = jnp.zeros((EDGES_PER * (B // 2) // 16, ANGLE_DIM), jnp.float32)
    zeros128 = jnp.zeros((N_ATOMS // 16, FEATURE_DIM), jnp.float32)
    enc_b2 = enc_b.reshape(1, FEATURE_DIM)
    eoffp = jnp.pad(edge_offsets, ((0, 0), (0, 13))).reshape(_NEP, 128)
    encw16 = jnp.pad(enc_W, ((0, 12), (0, 0)))
    encbig = jnp.kron(jnp.eye(_PACK, dtype=jnp.float32), encw16)
    encb8 = jnp.tile(enc_b.reshape(1, FEATURE_DIM), (1, _PACK))

    psd = _sc_gather(pos16, jnp.concatenate([src, dst]))
    psp = psd[:N_EDGES].reshape(_NEP, 128)
    pdp = psd[N_EDGES:].reshape(_NEP, 128)
    egeop, ef0p = _tc_edge_geom(psp, pdp, eoffp, cell9)
    edge_f = _tc_edge_enc(ef0p, encbig, encb8).reshape(N_EDGES, FEATURE_DIM)
    egeo = egeop.reshape(N_EDGES, 16)
    ef0 = ef0p.reshape(N_EDGES, 16)
    gcat = _sc_gather(egeo, jnp.concatenate([ij_glob, ik_glob]))
    gijp = gcat[:N_ANGLES].reshape(_NAP, 128)
    gikp = gcat[N_ANGLES:].reshape(_NAP, 128)
    wp = _tc_angle_geom(gijp, gikp)

    atom_f = _sc_gather(embed_table, an_pad)[:N_ATOMS]

    dstsrc = jnp.concatenate([dst, src])
    dstik = _sc_dstik(dst, tbi[:, 1])
    for (gate_W, tbw, tbb, e_phi, e_sig, e_w0, a_phi, a_sig, a_w0) in blocks:
        wcat = jnp.concatenate([e_phi, e_sig, a_phi, a_sig], axis=1)
        ajai = _sc_gather(atom_f, dstsrc)
        aj = ajai[:N_EDGES]
        ai = ajai[N_EDGES:]
        gate_atom = _tc_gate(atom_f, gate_W)
        gate_ik = _sc_gather(gate_atom, dstik)
        msg = _tc_msg(wp, gate_ik.reshape(_NAP, 128)).reshape(N_ANGLES, 16)
        eagg = _sc_scatter_add(msg, ij_loc, zeros16, EDGES_PER * (B // 2))
        eagg = eagg.reshape(N_EDGES, ANGLE_DIM)
        edge_f, amsg = _tc_edge_block(
            ai, aj, edge_f, eagg, ef0, wcat, tbw,
            tbb.reshape(1, FEATURE_DIM),
            jnp.pad(e_w0, ((0, 12), (0, 0))),
            jnp.pad(a_w0, ((0, 12), (0, 0))),
        )
        parts = _sc_scatter_add(amsg, src, zeros128, N_ATOMS)
        atom_f = _tc_add3(atom_f, parts[0], parts[1])

    out = _tc_final(
        atom_f, en_W1, en_b1.reshape(1, FEATURE_DIM),
        en_W2, en_b2.reshape(1, FEATURE_DIM),
        en_W3.reshape(1, FEATURE_DIM), en_b3.reshape(1, 1),
    )
    return out[:, 0, 0]

# --- scband reference (transcript-rebuilt; emitter-appended) ---
"""Pipeline reference for scband-m3-gnet-87471303950465 (READ-ONLY COPY).

The authoritative reference and input builder live on the scoring server;
editing this copy changes nothing except your own understanding.
"""

import jax, jax.numpy as jnp
import numpy as np

B = 8
ATOMS_PER = 1250
EDGES_PER = 20000
ANGLES_PER = 40000
N_ATOMS = B * ATOMS_PER
N_EDGES = B * EDGES_PER
N_ANGLES = B * ANGLES_PER
NUM_ELEMENTS = 108
FEATURE_DIM = 128
NUM_BLOCKS = 4
MAX_N = 4
MAX_L = 4
CUTOFF = 5.0
TB_CUTOFF = 4.0
ANGLE_DIM = MAX_N * MAX_L
EPS = 1e-8
INT_KEYS = ["atomic_numbers", "edge_index", "three_body_indices", "total_num_atoms", "total_num_edges", "total_num_angles"]


def swish(x):
    return x * jax.nn.sigmoid(x)


def rbf(r):
    n = jnp.arange(1, MAX_N + 1, dtype=jnp.float32)
    return jnp.sqrt(2.0 / CUTOFF) * jnp.sin(n[None, :] * jnp.pi * r[:, None] / CUTOFF) / (r[:, None] + EPS)


def cutoff_fn(r, rc):
    x = jnp.clip(r / rc, 0.0, 1.0)
    return 1.0 - 6.0 * x ** 5 + 15.0 * x ** 4 - 10.0 * x ** 3


def shrb(r, cos_t):
    n = jnp.arange(1, MAX_N + 1, dtype=jnp.float32)
    g = jnp.sin(n[None, :] * jnp.pi * r[:, None] / TB_CUTOFF) / (r[:, None] + EPS)
    p = jnp.stack([jnp.ones_like(cos_t), cos_t, 0.5 * (3.0 * cos_t ** 2 - 1.0), 0.5 * (5.0 * cos_t ** 3 - 3.0 * cos_t)], axis=-1)
    return (g[:, :, None] * p[:, None, :]).reshape(r.shape[0], ANGLE_DIM)


def setup_inputs(seed: int = 0) -> dict:
    key = jax.random.key(seed)
    cnt = [0]

    def nrm(shape, scale=0.05):
        cnt[0] += 1
        return scale * jax.random.normal(jax.random.fold_in(key, cnt[0]), shape, dtype=jnp.float32)

    inp = {}
    inp["atomic_numbers"] = jax.random.randint(jax.random.fold_in(key, 1001), (N_ATOMS,), 0, NUM_ELEMENTS)
    inp["pos"] = nrm((N_ATOMS, 3), 3.0)
    inp["edge_index"] = jax.random.randint(jax.random.fold_in(key, 1002), (2, N_EDGES), 0, N_ATOMS)
    inp["edge_offsets"] = nrm((N_EDGES, 3), 0.05)
    inp["cell"] = jnp.tile((10.0 * jnp.eye(3, dtype=jnp.float32))[None], (B, 1, 1)) + nrm((B, 3, 3), 0.01)
    inp["three_body_indices"] = jax.random.randint(jax.random.fold_in(key, 1003), (N_ANGLES, 2), 0, EDGES_PER)
    inp["total_num_atoms"] = jnp.full((B,), ATOMS_PER, dtype=jnp.int32)
    inp["total_num_edges"] = jnp.full((B,), EDGES_PER, dtype=jnp.int32)
    inp["total_num_angles"] = jnp.full((B,), ANGLES_PER, dtype=jnp.int32)
    inp["embed_table"] = nrm((NUM_ELEMENTS, FEATURE_DIM))
    inp["enc_W"] = nrm((MAX_N, FEATURE_DIM))
    inp["enc_b"] = jnp.zeros((FEATURE_DIM,), dtype=jnp.float32)
    for i in range(NUM_BLOCKS):
        inp["tb_gate_W_%d" % i] = nrm((FEATURE_DIM, ANGLE_DIM))
        inp["tb_edge_W_%d" % i] = nrm((ANGLE_DIM, FEATURE_DIM))
        inp["tb_edge_b_%d" % i] = jnp.zeros((FEATURE_DIM,), dtype=jnp.float32)
        inp["e_phi_W_%d" % i] = nrm((3 * FEATURE_DIM, FEATURE_DIM))
        inp["e_sig_W_%d" % i] = nrm((3 * FEATURE_DIM, FEATURE_DIM))
        inp["e_w0_%d" % i] = nrm((MAX_N, FEATURE_DIM))
        inp["a_phi_W_%d" % i] = nrm((3 * FEATURE_DIM, FEATURE_DIM))
        inp["a_sig_W_%d" % i] = nrm((3 * FEATURE_DIM, FEATURE_DIM))
        inp["a_w0_%d" % i] = nrm((MAX_N, FEATURE_DIM))
    inp["en_W1"] = nrm((FEATURE_DIM, FEATURE_DIM))
    inp["en_b1"] = jnp.zeros((FEATURE_DIM,), dtype=jnp.float32)
    inp["en_W2"] = nrm((FEATURE_DIM, FEATURE_DIM))
    inp["en_b2"] = jnp.zeros((FEATURE_DIM,), dtype=jnp.float32)
    inp["en_W3"] = nrm((FEATURE_DIM, 1))
    inp["en_b3"] = jnp.zeros((1,), dtype=jnp.float32)
    return inp


def _forward(fp, ip):
    tne = ip["total_num_edges"]
    tna = ip["total_num_angles"]
    tnat = ip["total_num_atoms"]
    cumsum_edges = jnp.cumsum(tne)
    offsets = jnp.concatenate([jnp.zeros((1,), dtype=cumsum_edges.dtype), cumsum_edges[:-1]])
    offsets = jnp.repeat(offsets, tna, total_repeat_length=N_ANGLES)[:, None]
    three_idx = ip["three_body_indices"] + offsets
    batch_e = jnp.repeat(jnp.arange(B), tne, total_repeat_length=N_EDGES)
    cell = fp["cell"].reshape(-1, 3, 3)
    edge_off = jnp.einsum("ei,eij->ej", fp["edge_offsets"], cell[batch_e])
    ei = ip["edge_index"]
    edge_vec = fp["pos"][ei[1]] - fp["pos"][ei[0]] + edge_off
    edge_dist = jnp.linalg.norm(edge_vec, axis=1)
    ij = three_idx[:, 0]
    ik = three_idx[:, 1]
    vec_ij = edge_vec[ij]
    vec_ik = edge_vec[ik]
    norm_ik = edge_dist[ik]
    cos_angle = jnp.sum(vec_ij * vec_ik, axis=1) / (jnp.linalg.norm(vec_ij, axis=1) * jnp.linalg.norm(vec_ik, axis=1) + EPS)
    atom_f = fp["embed_table"][ip["atomic_numbers"]]
    ef0 = rbf(edge_dist)
    edge_f = swish(ef0 @ fp["enc_W"] + fp["enc_b"])
    angle_f = shrb(norm_ik, cos_angle)
    fc_ik = cutoff_fn(norm_ik, TB_CUTOFF)
    for i in range(NUM_BLOCKS):
        atom_k = atom_f[ei[1][ik]]
        gate = jax.nn.sigmoid(atom_k @ fp["tb_gate_W_%d" % i])
        msg = angle_f * gate * fc_ik[:, None]
        eagg = jax.ops.segment_sum(msg, ij, num_segments=N_EDGES)
        edge_f = edge_f + swish(eagg @ fp["tb_edge_W_%d" % i] + fp["tb_edge_b_%d" % i])
        ai = atom_f[ei[0]]
        aj = atom_f[ei[1]]
        feat = jnp.concatenate([ai, aj, edge_f], axis=-1)
        edge_f = edge_f + swish(feat @ fp["e_phi_W_%d" % i]) * jax.nn.sigmoid(feat @ fp["e_sig_W_%d" % i]) * (ef0 @ fp["e_w0_%d" % i])
        amsg = swish(feat @ fp["a_phi_W_%d" % i]) * jax.nn.sigmoid(feat @ fp["a_sig_W_%d" % i]) * (ef0 @ fp["a_w0_%d" % i])
        atom_f = atom_f + jax.ops.segment_sum(amsg, ei[0], num_segments=N_ATOMS)
    h = swish(atom_f @ fp["en_W1"] + fp["en_b1"])
    h = swish(h @ fp["en_W2"] + fp["en_b2"])
    epa = (h @ fp["en_W3"] + fp["en_b3"]).squeeze(-1)
    batch_a = jnp.repeat(jnp.arange(B), tnat, total_repeat_length=N_ATOMS)
    return jax.ops.segment_sum(epa, batch_a, num_segments=B)


def reference(atomic_numbers, pos, edge_index, edge_offsets, cell, three_body_indices,
              total_num_atoms, total_num_edges, total_num_angles, embed_table, enc_W, enc_b,
              tb_gate_W_0, tb_edge_W_0, tb_edge_b_0, e_phi_W_0, e_sig_W_0, e_w0_0, a_phi_W_0, a_sig_W_0, a_w0_0,
              tb_gate_W_1, tb_edge_W_1, tb_edge_b_1, e_phi_W_1, e_sig_W_1, e_w0_1, a_phi_W_1, a_sig_W_1, a_w0_1,
              tb_gate_W_2, tb_edge_W_2, tb_edge_b_2, e_phi_W_2, e_sig_W_2, e_w0_2, a_phi_W_2, a_sig_W_2, a_w0_2,
              tb_gate_W_3, tb_edge_W_3, tb_edge_b_3, e_phi_W_3, e_sig_W_3, e_w0_3, a_phi_W_3, a_sig_W_3, a_w0_3,
              en_W1, en_b1, en_W2, en_b2, en_W3, en_b3):
    inp = dict(locals())
    ip = {k: inp.pop(k) for k in INT_KEYS}
    return _forward(inp, ip)

if __name__ == "__main__":
    import jax
    _d = setup_inputs()
    print(jax.jit(kernel)(*tuple(_d.values())))

</pallas_src>

<mosaic_0001>
#map = affine_map<(d0, d1) -> (0, 0)>
module attributes {stable_mosaic.version = 14 : i64} {
  func.func @k(%arg0: i32, %arg1: i32, %arg2: memref<10000x16xf32, #tpu.memory_space<hbm>>, %arg3: memref<1x320000xi32, #tpu.memory_space<hbm>>, %arg4: memref<320000x16xf32, #tpu.memory_space<hbm>>) attributes {dimension_semantics = [#tpu.dimension_semantics<core_parallel>, #tpu.dimension_semantics<subcore_parallel>], iteration_bounds = array<i64: 2, 16>, scalar_prefetch = 0 : i64, scratch_operands = 0 : i64, tpu.core_type = #tpu.core_type<sc_vector_subcore>, window_params = [{transform_indices = #map}, {transform_indices = #map}, {transform_indices = #map}]} {
    %mul3A = arith.constant 1 : i32
    %mul3A_0 = arith.muli %arg1, %mul3A : i32
    %add3A = arith.constant 0 : i32
    %add3A_1 = arith.addi %add3A, %mul3A_0 : i32
    %mul3A_2 = arith.constant 16 : i32
    %mul3A_3 = arith.muli %arg0, %mul3A_2 : i32
    %add3A_4 = arith.addi %add3A_1, %mul3A_3 : i32
    %lt3A = arith.constant 4 : i32
    %lt3A_5 = arith.cmpi slt, %add3A_4, %lt3A : i32
    %jit3A = arith.constant 79 : i32
    %jit3A_6 = arith.constant 78 : i32
    %select_n3A = arith.select %lt3A_5, %jit3A, %jit3A_6 : i32
    %lt3A_7 = arith.constant 4 : i32
    %lt3A_8 = arith.cmpi slt, %add3A_4, %lt3A_7 : i32
    %mul3A_9 = arith.muli %add3A_4, %select_n3A : i32
    %mul3A_10 = arith.constant 78 : i32
    %mul3A_11 = arith.muli %add3A_4, %mul3A_10 : i32
    %add3A_12 = arith.constant 4 : i32
    %add3A_13 = arith.addi %mul3A_11, %add3A_12 : i32
    %select_n3A_14 = arith.select %lt3A_8, %mul3A_9, %add3A_13 : i32
    %mul3A_15 = arith.constant 1 : i32
    %mul3A_16 = arith.muli %mul3A_15, %select_n3A : i32
    "tpu.region"() ({
      %run_scoped3A = memref.alloca() : memref<2x1x128xi32, #tpu.memory_space<vmem>>
      %run_scoped3A_17 = tpu.sem_alloc : memref<2x!tpu.dma_semaphore, #tpu.memory_space<semaphore_mem>>
      %run_scoped3A_18 = memref.alloca() : memref<2x128x16xf32, #tpu.memory_space<vmem>>
      %run_scoped3A_19 = tpu.sem_alloc : memref<2x!tpu.dma_semaphore, #tpu.memory_space<semaphore_mem>>
      %gt3A = arith.constant 0 : i32
      %gt3A_20 = arith.cmpi sgt, %mul3A_16, %gt3A : i32
      %convert_element_type3A = arith.extui %gt3A_20 : i1 to i32
      %cond3A = arith.constant 0 : i32
      %cond3A_21 = arith.cmpi ne, %convert_element_type3A, %cond3A : i32
      scf.if %cond3A_21 {
        %mul3A_22 = arith.constant 1 : i32
        %mul3A_23 = arith.muli %mul3A_22, %select_n3A : i32
        %sub3A = arith.constant 1 : i32
        %sub3A_24 = arith.subi %mul3A_23, %sub3A : i32
        %eq3A = arith.constant 0 : i32
        %eq3A_25 = arith.cmpi eq, %sub3A_24, %eq3A : i32
        %add3A_26 = arith.constant 0 : i32
        %add3A_27 = arith.addi %add3A_26, %select_n3A_14 : i32
        %select_n3A_28 = arith.constant true
        %select_n3A_29 = arith.constant 0 : i32
        %select_n3A_30 = arith.constant -1 : i32
        %select_n3A_31 = arith.select %select_n3A_28, %select_n3A_30, %select_n3A_29 : i32
        %eq3A_32 = arith.constant -1 : i32
        %eq3A_33 = arith.cmpi eq, %select_n3A_31, %eq3A_32 : i32
        %sub3A_34 = arith.constant 1 : i32
        %sub3A_35 = arith.subi %select_n3A, %sub3A_34 : i32
        %select_n3A_36 = arith.select %eq3A_33, %sub3A_35, %select_n3A_31 : i32
        %add3A_37 = arith.addi %select_n3A_36, %select_n3A_14 : i32
        %select_n3A_38 = arith.constant true
        %select_n3A_39 = arith.constant 0 : i32
        %select_n3A_40 = arith.constant 1 : i32
        %select_n3A_41 = arith.select %select_n3A_38, %select_n3A_40, %select_n3A_39 : i32
        %eq3A_42 = arith.cmpi eq, %select_n3A_41, %select_n3A : i32
        %select_n3A_43 = arith.constant 0 : i32
        %select_n3A_44 = arith.select %eq3A_42, %select_n3A_43, %select_n3A_41 : i32
        %add3A_45 = arith.addi %select_n3A_44, %select_n3A_14 : i32
        %add3A_46 = arith.constant 1 : i32
        %add3A_47 = arith.addi %select_n3A_44, %add3A_46 : i32
        %select_n3A_48 = arith.constant true
        %select_n3A_49 = arith.select %select_n3A_48, %add3A_47, %select_n3A_44 : i32
        %eq3A_50 = arith.cmpi eq, %select_n3A_49, %select_n3A : i32
        %select_n3A_51 = arith.constant 0 : i32
        %select_n3A_52 = arith.select %eq3A_50, %select_n3A_51, %select_n3A_49 : i32
        %add3A_53 = arith.addi %select_n3A_52, %select_n3A_14 : i32
        "tpu.trace_start"() <{level = 10 : i32, message = "ep_initialize_0"}> : () -> ()
        %rem3A = arith.constant 0 : i32
        %rem3A_54 = arith.constant 2 : i32
        %rem3A_55 = arith.remui %rem3A, %rem3A_54 : i32
        %mul3A_56 = arith.constant 128 : i32
        %mul3A_57 = arith.muli %mul3A_56, %add3A_27 : i32
        %dma_start3A = arith.constant 0 : i32
        %dma_start3A_58 = arith.constant 0 : i32
        %dma_start3A_59 = tpu.memref_slice %run_scoped3A[%rem3A_55, %dma_start3A, %dma_start3A_58] : memref<2x1x128xi32, #tpu.memory_space<vmem>> -> memref<1x1x128xi32, #tpu.memory_space<vmem>>
        %dma_start3A_60 = tpu.memref_squeeze %dma_start3A_59 : memref<1x1x128xi32, #tpu.memory_space<vmem>> -> memref<1x128xi32, #tpu.memory_space<vmem>>
        %dma_start3A_61 = arith.constant 0 : i32
        %dma_start3A_62 = tpu.memref_slice %arg3[%dma_start3A_61, %mul3A_57] : memref<1x320000xi32, #tpu.memory_space<hbm>> -> memref<1x128xi32, #tpu.memory_space<hbm>>
        %dma_start3A_63 = tpu.memref_slice %run_scoped3A_17[%rem3A_55] : memref<2x!tpu.dma_semaphore, #tpu.memory_space<semaphore_mem>> -> memref<1x!tpu.dma_semaphore, #tpu.memory_space<semaphore_mem>>
        %dma_start3A_64 = tpu.memref_squeeze %dma_start3A_63 : memref<1x!tpu.dma_semaphore, #tpu.memory_space<semaphore_mem>> -> memref<!tpu.dma_semaphore, #tpu.memory_space<semaphore_mem>>
        %dma_start3A_65 = arith.constant 0 : i32
        %dma_start3A_66 = arith.constant 0 : i32
        %dma_start3A_67 = tpu.memref_slice %run_scoped3A[%rem3A_55, %dma_start3A_65, %dma_start3A_66] : memref<2x1x128xi32, #tpu.memory_space<vmem>> -> memref<1x1x128xi32, #tpu.memory_space<vmem>>
        %dma_start3A_68 = tpu.memref_squeeze %dma_start3A_67 : memref<1x1x128xi32, #tpu.memory_space<vmem>> -> memref<1x128xi32, #tpu.memory_space<vmem>>
        %dma_start3A_69 = arith.constant 0 : i32
        %dma_start3A_70 = tpu.memref_slice %arg3[%dma_start3A_69, %mul3A_57] : memref<1x320000xi32, #tpu.memory_space<hbm>> -> memref<1x128xi32, #tpu.memory_space<hbm>>
        tpu.enqueue_dma source(%dma_start3A_70 : memref<1x128xi32, #tpu.memory_space<hbm>>) target(%dma_start3A_68 : memref<1x128xi32, #tpu.memory_space<vmem>>) target_semaphore(%dma_start3A_64 : memref<!tpu.dma_semaphore, #tpu.memory_space<semaphore_mem>>)
        %add3A_71 = arith.constant 0 : i32
        %add3A_72 = arith.constant 1 : i32
        %add3A_73 = arith.addi %add3A_71, %add3A_72 : i32
        %select_n3A_74 = arith.constant true
        %select_n3A_75 = arith.constant 0 : i32
        %select_n3A_76 = arith.select %select_n3A_74, %add3A_73, %select_n3A_75 : i32
        %while3A = arith.constant 0 : i32
        %while3A_77 = arith.constant 0 : i32
        %while3A_78 = arith.constant 0 : i32
        %while3A_79 = arith.constant 0 : i32
        %while3A_80 = arith.constant 0 : i32
        "tpu.trace_stop"() : () -> ()
        %while3A_81 = arith.subi %mul3A_16, %while3A : i32
        %while3A_82 = arith.addi %while3A, %while3A_81 : i32
        %while3A_83 = arith.constant 1 : i32
        %while3A_84 = arith.divsi %while3A_81, %while3A_83 : i32
        %while3A_85 = arith.muli %while3A_84, %while3A_83 : i32
        %while3A_86 = arith.addi %while3A, %while3A_85 : i32
        %while3A_87 = arith.constant 1 : i32
        %while3A_88:5 = scf.for %while3A_142 = %while3A to %while3A_86 step %while3A_87 iter_args(%while3A_143 = %select_n3A_76, %while3A_144 = %while3A_77, %while3A_145 = %while3A_78, %while3A_146 = %while3A_79, %while3A_147 = %while3A_80) -> (i32, i32, i32, i32, i32)  : i32 {
          %mul3A_148 = arith.constant 1 : i32
          %mul3A_149 = arith.muli %mul3A_148, %select_n3A : i32
          %eq3A_150 = arith.constant 0 : i32
          %eq3A_151 = arith.cmpi eq, %while3A_142, %eq3A_150 : i32
          %sub3A_152 = arith.constant 1 : i32
          %sub3A_153 = arith.subi %mul3A_149, %sub3A_152 : i32
          %eq3A_154 = arith.cmpi eq, %while3A_142, %sub3A_153 : i32
          %add3A_155 = arith.addi %while3A_147, %select_n3A_14 : i32
          %sub3A_156 = arith.constant 1 : i32
          %sub3A_157 = arith.subi %while3A_147, %sub3A_156 : i32
          %select_n3A_158 = arith.constant true
          %select_n3A_159 = arith.select %select_n3A_158, %sub3A_157, %while3A_147 : i32
          %eq3A_160 = arith.constant -1 : i32
          %eq3A_161 = arith.cmpi eq, %select_n3A_159, %eq3A_160 : i32
          %sub3A_162 = arith.constant 1 : i32
          %sub3A_163 = arith.subi %select_n3A, %sub3A_162 : i32
          %select_n3A_164 = arith.select %eq3A_161, %sub3A_163, %select_n3A_159 : i32
          %add3A_165 = arith.addi %select_n3A_164, %select_n3A_14 : i32
          %add3A_166 = arith.constant 1 : i32
          %add3A_167 = arith.addi %while3A_147, %add3A_166 : i32
          %select_n3A_168 = arith.constant true
          %select_n3A_169 = arith.select %select_n3A_168, %add3A_167, %while3A_147 : i32
          %eq3A_170 = arith.cmpi eq, %select_n3A_169, %select_n3A : i32
          %select_n3A_171 = arith.constant 0 : i32
          %select_n3A_172 = arith.select %eq3A_170, %select_n3A_171, %select_n3A_169 : i32
          %add3A_173 = arith.addi %select_n3A_172, %select_n3A_14 : i32
          %add3A_174 = arith.constant 1 : i32
          %add3A_175 = arith.addi %select_n3A_172, %add3A_174 : i32
          %select_n3A_176 = arith.constant true
          %select_n3A_177 = arith.select %select_n3A_176, %add3A_175, %select_n3A_172 : i32
          %eq3A_178 = arith.cmpi eq, %select_n3A_177, %select_n3A : i32
          %select_n3A_179 = arith.constant 0 : i32
          %select_n3A_180 = arith.select %eq3A_178, %select_n3A_179, %select_n3A_177 : i32
          %add3A_181 = arith.addi %select_n3A_180, %select_n3A_14 : i32
          %ne3A = arith.cmpi ne, %add3A_155, %add3A_173 : i32
          %or3A = arith.constant false
          %or3A_182 = arith.ori %or3A, %ne3A : i1
          %sub3A_183 = arith.constant 2 : i32
          %sub3A_184 = arith.subi %mul3A_149, %sub3A_183 : i32
          %add3A_185 = arith.constant 1 : i32
          %add3A_186 = arith.addi %sub3A_184, %add3A_185 : i32
          %ge3A = arith.cmpi sge, %while3A_142, %add3A_186 : i32
          %not3A = arith.constant true
          %not3A_187 = arith.xori %ge3A, %not3A : i1
          %and3A = arith.andi %or3A_182, %not3A_187 : i1
          %convert_element_type3A_188 = arith.extui %and3A : i1 to i32
          %cond3A_189 = arith.constant 0 : i32
          %cond3A_190 = arith.cmpi ne, %convert_element_type3A_188, %cond3A_189 : i32
          scf.if %cond3A_190 {
            "tpu.trace_start"() <{level = 10 : i32, message = "ep_copy_in"}> : () -> ()
            %rem3A_294 = arith.constant 2 : i32
            %rem3A_295 = arith.remui %while3A_143, %rem3A_294 : i32
            %mul3A_296 = arith.constant 128 : i32
            %mul3A_297 = arith.muli %mul3A_296, %add3A_173 : i32
            %dma_start3A_298 = arith.constant 0 : i32
            %dma_start3A_299 = arith.constant 0 : i32
            %dma_start3A_300 = tpu.memref_slice %run_scoped3A[%rem3A_295, %dma_start3A_298, %dma_start3A_299] : memref<2x1x128xi32, #tpu.memory_space<vmem>> -> memref<1x1x128xi32, #tpu.memory_space<vmem>>
            %dma_start3A_301 = tpu.memref_squeeze %dma_start3A_300 : memref<1x1x128xi32, #tpu.memory_space<vmem>> -> memref<1x128xi32, #tpu.memory_space<vmem>>
            %dma_start3A_302 = arith.constant 0 : i32
            %dma_start3A_303 = tpu.memref_slice %arg3[%dma_start3A_302, %mul3A_297] : memref<1x320000xi32, #tpu.memory_space<hbm>> -> memref<1x128xi32, #tpu.memory_space<hbm>>
            %dma_start3A_304 = tpu.memref_slice %run_scoped3A_17[%rem3A_295] : memref<2x!tpu.dma_semaphore, #tpu.memory_space<semaphore_mem>> -> memref<1x!tpu.dma_semaphore, #tpu.memory_space<semaphore_mem>>
            %dma_start3A_305 = tpu.memref_squeeze %dma_start3A_304 : memref<1x!tpu.dma_semaphore, #tpu.memory_space<semaphore_mem>> -> memref<!tpu.dma_semaphore, #tpu.memory_space<semaphore_mem>>
            %dma_start3A_306 = arith.constant 0 : i32
            %dma_start3A_307 = arith.constant 0 : i32
            %dma_start3A_308 = tpu.memref_slice %run_scoped3A[%rem3A_295, %dma_start3A_306, %dma_start3A_307] : memref<2x1x128xi32, #tpu.memory_space<vmem>> -> memref<1x1x128xi32, #tpu.memory_space<vmem>>
            %dma_start3A_309 = tpu.memref_squeeze %dma_start3A_308 : memref<1x1x128xi32, #tpu.memory_space<vmem>> -> memref<1x128xi32, #tpu.memory_space<vmem>>
            %dma_start3A_310 = arith.constant 0 : i32
            %dma_start3A_311 = tpu.memref_slice %arg3[%dma_start3A_310, %mul3A_297] : memref<1x320000xi32, #tpu.memory_space<hbm>> -> memref<1x128xi32, #tpu.memory_space<hbm>>
            tpu.enqueue_dma source(%dma_start3A_311 : memref<1x128xi32, #tpu.memory_space<hbm>>) target(%dma_start3A_309 : memref<1x128xi32, #tpu.memory_space<vmem>>) target_semaphore(%dma_start3A_305 : memref<!tpu.dma_semaphore, #tpu.memory_space<semaphore_mem>>)
            "tpu.trace_stop"() : () -> ()
          } else {
          }
          %and3A_191 = arith.constant true
          %and3A_192 = arith.andi %and3A, %and3A_191 : i1
          %add3A_193 = arith.constant 1 : i32
          %add3A_194 = arith.addi %while3A_143, %add3A_193 : i32
          %select_n3A_195 = arith.select %and3A_192, %add3A_194, %while3A_143 : i32
          %ne3A_196 = arith.cmpi ne, %add3A_155, %add3A_173 : i32
          %or3A_197 = arith.constant false
          %or3A_198 = arith.ori %or3A_197, %ne3A_196 : i1
          %or3A_199 = arith.constant false
          %or3A_200 = arith.ori %or3A_198, %or3A_199 : i1
          %sub3A_201 = arith.constant 2 : i32
          %sub3A_202 = arith.subi %mul3A_149, %sub3A_201 : i32
          %add3A_203 = arith.constant 1 : i32
          %add3A_204 = arith.addi %sub3A_202, %add3A_203 : i32
          %ge3A_205 = arith.cmpi sge, %while3A_142, %add3A_204 : i32
          %not3A_206 = arith.constant true
          %not3A_207 = arith.xori %ge3A_205, %not3A_206 : i1
          %and3A_208 = arith.andi %or3A_200, %not3A_207 : i1
          %ne3A_209 = arith.cmpi ne, %add3A_155, %add3A_165 : i32
          %or3A_210 = arith.constant false
          %or3A_211 = arith.ori %or3A_210, %ne3A_209 : i1
          %or3A_212 = arith.ori %or3A_211, %eq3A_151 : i1
          %convert_element_type3A_213 = arith.extui %or3A_212 : i1 to i32
          %cond3A_214 = arith.constant 0 : i32
          %cond3A_215 = arith.cmpi ne, %convert_element_type3A_213, %cond3A_214 : i32
          scf.if %cond3A_215 {
            "tpu.trace_start"() <{level = 10 : i32, message = "ep_wait_in"}> : () -> ()
            %mul3A_294 = arith.constant 128 : i32
            %mul3A_295 = arith.muli %mul3A_294, %add3A_155 : i32
            %rem3A_296 = arith.constant 2 : i32
            %rem3A_297 = arith.remui %while3A_144, %rem3A_296 : i32
            %dma_wait3A = arith.constant 0 : i32
            %dma_wait3A_298 = arith.constant 0 : i32
            %dma_wait3A_299 = tpu.memref_slice %run_scoped3A[%rem3A_297, %dma_wait3A, %dma_wait3A_298] : memref<2x1x128xi32, #tpu.memory_space<vmem>> -> memref<1x1x128xi32, #tpu.memory_space<vmem>>
            %dma_wait3A_300 = tpu.memref_squeeze %dma_wait3A_299 : memref<1x1x128xi32, #tpu.memory_space<vmem>> -> memref<1x128xi32, #tpu.memory_space<vmem>>
            %dma_wait3A_301 = arith.constant 0 : i32
            %dma_wait3A_302 = tpu.memref_slice %arg3[%dma_wait3A_301, %mul3A_295] : memref<1x320000xi32, #tpu.memory_space<hbm>> -> memref<1x128xi32, #tpu.memory_space<hbm>>
            %dma_wait3A_303 = tpu.memref_slice %run_scoped3A_17[%rem3A_297] : memref<2x!tpu.dma_semaphore, #tpu.memory_space<semaphore_mem>> -> memref<1x!tpu.dma_semaphore, #tpu.memory_space<semaphore_mem>>
            %dma_wait3A_304 = tpu.memref_squeeze %dma_wait3A_303 : memref<1x!tpu.dma_semaphore, #tpu.memory_space<semaphore_mem>> -> memref<!tpu.dma_semaphore, #tpu.memory_space<semaphore_mem>>
            %dma_wait3A_305 = arith.constant 0 : i32
            %dma_wait3A_306 = arith.constant 0 : i32
            %dma_wait3A_307 = tpu.memref_slice %run_scoped3A[%rem3A_297, %dma_wait3A_305, %dma_wait3A_306] : memref<2x1x128xi32, #tpu.memory_space<vmem>> -> memref<1x1x128xi32, #tpu.memory_space<vmem>>
            %dma_wait3A_308 = tpu.memref_squeeze %dma_wait3A_307 : memref<1x1x128xi32, #tpu.memory_space<vmem>> -> memref<1x128xi32, #tpu.memory_space<vmem>>
            %dma_wait3A_309 = arith.constant 0 : i32
            %dma_wait3A_310 = tpu.memref_slice %arg3[%dma_wait3A_309, %mul3A_295] : memref<1x320000xi32, #tpu.memory_space<hbm>> -> memref<1x128xi32, #tpu.memory_space<hbm>>
            tpu.wait_dma2 semaphore(%dma_wait3A_304 : memref<!tpu.dma_semaphore, #tpu.memory_space<semaphore_mem>>) src(%dma_wait3A_310 : memref<1x128xi32, #tpu.memory_space<hbm>>) dst(%dma_wait3A_308 : memref<1x128xi32, #tpu.memory_space<vmem>>)
            "tpu.trace_stop"() : () -> ()
          } else {
          }
          %ne3A_216 = arith.cmpi ne, %add3A_155, %add3A_165 : i32
          %or3A_217 = arith.constant false
          %or3A_218 = arith.ori %or3A_217, %ne3A_216 : i1
          %or3A_219 = arith.constant false
          %or3A_220 = arith.ori %or3A_218, %or3A_219 : i1
          %or3A_221 = arith.ori %or3A_220, %eq3A_151 : i1
          %convert_element_type3A_222 = arith.extui %or3A_221 : i1 to i32
          %cond3A_223 = arith.constant 0 : i32
          %cond3A_224 = arith.cmpi ne, %convert_element_type3A_222, %cond3A_223 : i32
          scf.if %cond3A_224 {
          } else {
          }
          %rem3A_225 = arith.constant 2 : i32
          %rem3A_226 = arith.remui %while3A_144, %rem3A_225 : i32
          %rem3A_227 = arith.constant 2 : i32
          %rem3A_228 = arith.remui %while3A_145, %rem3A_227 : i32
          %run_scoped3A_229 = arith.constant 0 : i32
          "tpu.trace_start"() <{level = 10 : i32, message = "ep_run_kernel"}> : () -> ()
          "tpu.region"() ({
            %run_scoped3A_294 = tpu.sem_alloc : memref<!tpu.dma_semaphore, #tpu.memory_space<semaphore_mem>>
            %dma_start3A_295 = arith.constant 0 : i32
            %dma_start3A_296 = arith.constant 0 : i32
            %dma_start3A_297 = tpu.memref_slice %run_scoped3A_18[%rem3A_228, %dma_start3A_295, %dma_start3A_296] : memref<2x128x16xf32, #tpu.memory_space<vmem>> -> memref<1x128x16xf32, #tpu.memory_space<vmem>>
            %dma_start3A_298 = tpu.memref_squeeze %dma_start3A_297 : memref<1x128x16xf32, #tpu.memory_space<vmem>> -> memref<128x16xf32, #tpu.memory_space<vmem>>
            %dma_start3A_299 = arith.constant 0 : i32
            %dma_start3A_300 = arith.constant 0 : i32
            %dma_start3A_301 = tpu.memref_slice %run_scoped3A[%rem3A_226, %dma_start3A_299, %dma_start3A_300] : memref<2x1x128xi32, #tpu.memory_space<vmem>> -> memref<1x1x128xi32, #tpu.memory_space<vmem>>
            %dma_start3A_302 = tpu.memref_squeeze %dma_start3A_301 : memref<1x1x128xi32, #tpu.memory_space<vmem>> -> memref<1x128xi32, #tpu.memory_space<vmem>>
            %dma_start3A_303 = arith.constant 0 : i32
            %dma_start3A_304 = tpu.memref_slice %dma_start3A_302[%run_scoped3A_229, %dma_start3A_303] : memref<1x128xi32, #tpu.memory_space<vmem>> -> memref<1x128xi32, #tpu.memory_space<vmem>>
            %dma_start3A_305 = tpu.memref_squeeze %dma_start3A_304 : memref<1x128xi32, #tpu.memory_space<vmem>> -> memref<128xi32, #tpu.memory_space<vmem>>
            %dma_start3A_306 = arith.constant 0 : i32
            %dma_start3A_307 = arith.constant 0 : i32
            %dma_start3A_308 = tpu.memref_slice %arg2[%dma_start3A_306, %dma_start3A_307] : memref<10000x16xf32, #tpu.memory_space<hbm>> -> memref<10000x16xf32, #tpu.memory_space<hbm>>
            tpu.enqueue_indirect_dma source(%dma_start3A_308 : memref<10000x16xf32, #tpu.memory_space<hbm>>) target(%dma_start3A_298 : memref<128x16xf32, #tpu.memory_space<vmem>>) offsets(%dma_start3A_305 : memref<128xi32, #tpu.memory_space<vmem>>) semaphore(%run_scoped3A_294 : memref<!tpu.dma_semaphore, #tpu.memory_space<semaphore_mem>>)
            %dma_wait3A = arith.constant 0 : i32
            %dma_wait3A_309 = arith.constant 0 : i32
            %dma_wait3A_310 = tpu.memref_slice %run_scoped3A_18[%rem3A_228, %dma_wait3A, %dma_wait3A_309] : memref<2x128x16xf32, #tpu.memory_space<vmem>> -> memref<1x128x16xf32, #tpu.memory_space<vmem>>
            %dma_wait3A_311 = tpu.memref_squeeze %dma_wait3A_310 : memref<1x128x16xf32, #tpu.memory_space<vmem>> -> memref<128x16xf32, #tpu.memory_space<vmem>>
            %dma_wait3A_312 = arith.constant 0 : i32
            %dma_wait3A_313 = arith.constant 0 : i32
            %dma_wait3A_314 = tpu.memref_slice %run_scoped3A[%rem3A_226, %dma_wait3A_312, %dma_wait3A_313] : memref<2x1x128xi32, #tpu.memory_space<vmem>> -> memref<1x1x128xi32, #tpu.memory_space<vmem>>
            %dma_wait3A_315 = tpu.memref_squeeze %dma_wait3A_314 : memref<1x1x128xi32, #tpu.memory_space<vmem>> -> memref<1x128xi32, #tpu.memory_space<vmem>>
            %dma_wait3A_316 = arith.constant 0 : i32
            %dma_wait3A_317 = tpu.memref_slice %dma_wait3A_315[%run_scoped3A_229, %dma_wait3A_316] : memref<1x128xi32, #tpu.memory_space<vmem>> -> memref<1x128xi32, #tpu.memory_space<vmem>>
            %dma_wait3A_318 = tpu.memref_squeeze %dma_wait3A_317 : memref<1x128xi32, #tpu.memory_space<vmem>> -> memref<128xi32, #tpu.memory_space<vmem>>
            %dma_wait3A_319 = arith.constant 0 : i32
            %dma_wait3A_320 = arith.constant 0 : i32
            %dma_wait3A_321 = tpu.memref_slice %arg2[%dma_wait3A_319, %dma_wait3A_320] : memref<10000x16xf32, #tpu.memory_space<hbm>> -> memref<10000x16xf32, #tpu.memory_space<hbm>>
            tpu.wait_indirect_dma semaphore(%run_scoped3A_294 : memref<!tpu.dma_semaphore, #tpu.memory_space<semaphore_mem>>) src(%dma_wait3A_321 : memref<10000x16xf32, #tpu.memory_space<hbm>>) dst(%dma_wait3A_311 : memref<128x16xf32, #tpu.memory_space<vmem>>)
            tpu.yield
          }) : () -> ()
          "tpu.trace_stop"() : () -> ()
          %ne3A_230 = arith.cmpi ne, %add3A_155, %add3A_173 : i32
          %or3A_231 = arith.constant false
          %or3A_232 = arith.ori %or3A_231, %ne3A_230 : i1
          %or3A_233 = arith.ori %or3A_232, %eq3A_154 : i1
          %convert_element_type3A_234 = arith.extui %or3A_233 : i1 to i32
          %cond3A_235 = arith.constant 0 : i32
          %cond3A_236 = arith.cmpi ne, %convert_element_type3A_234, %cond3A_235 : i32
          scf.if %cond3A_236 {
          } else {
          }
          %and3A_237 = arith.constant false
          %and3A_238 = arith.andi %or3A_233, %and3A_237 : i1
          %ne3A_239 = arith.cmpi ne, %add3A_155, %add3A_173 : i32
          %or3A_240 = arith.constant false
          %or3A_241 = arith.ori %or3A_240, %ne3A_239 : i1
          %or3A_242 = arith.constant false
          %or3A_243 = arith.ori %or3A_241, %or3A_242 : i1
          %or3A_244 = arith.ori %or3A_243, %eq3A_154 : i1
          %convert_element_type3A_245 = arith.extui %or3A_244 : i1 to i32
          %cond3A_246 = arith.constant 0 : i32
          %cond3A_247 = arith.cmpi ne, %convert_element_type3A_245, %cond3A_246 : i32
          scf.if %cond3A_247 {
            "tpu.trace_start"() <{level = 10 : i32, message = "ep_copy_out"}> : () -> ()
            %rem3A_294 = arith.constant 2 : i32
            %rem3A_295 = arith.remui %while3A_145, %rem3A_294 : i32
            %mul3A_296 = arith.constant 128 : i32
            %mul3A_297 = arith.muli %mul3A_296, %add3A_155 : i32
            %dma_start3A_298 = arith.constant 0 : i32
            %dma_start3A_299 = arith.constant 0 : i32
            %dma_start3A_300 = tpu.memref_slice %run_scoped3A_18[%rem3A_295, %dma_start3A_298, %dma_start3A_299] : memref<2x128x16xf32, #tpu.memory_space<vmem>> -> memref<1x128x16xf32, #tpu.memory_space<vmem>>
            %dma_start3A_301 = tpu.memref_squeeze %dma_start3A_300 : memref<1x128x16xf32, #tpu.memory_space<vmem>> -> memref<128x16xf32, #tpu.memory_space<vmem>>
            %dma_start3A_302 = arith.constant 0 : i32
            %dma_start3A_303 = tpu.memref_slice %arg4[%mul3A_297, %dma_start3A_302] : memref<320000x16xf32, #tpu.memory_space<hbm>> -> memref<128x16xf32, #tpu.memory_space<hbm>>
            %dma_start3A_304 = tpu.memref_slice %run_scoped3A_19[%rem3A_295] : memref<2x!tpu.dma_semaphore, #tpu.memory_space<semaphore_mem>> -> memref<1x!tpu.dma_semaphore, #tpu.memory_space<semaphore_mem>>
            %dma_start3A_305 = tpu.memref_squeeze %dma_start3A_304 : memref<1x!tpu.dma_semaphore, #tpu.memory_space<semaphore_mem>> -> memref<!tpu.dma_semaphore, #tpu.memory_space<semaphore_mem>>
            %dma_start3A_306 = arith.constant 0 : i32
            %dma_start3A_307 = tpu.memref_slice %arg4[%mul3A_297, %dma_start3A_306] : memref<320000x16xf32, #tpu.memory_space<hbm>> -> memref<128x16xf32, #tpu.memory_space<hbm>>
            %dma_start3A_308 = arith.constant 0 : i32
            %dma_start3A_309 = arith.constant 0 : i32
            %dma_start3A_310 = tpu.memref_slice %run_scoped3A_18[%rem3A_295, %dma_start3A_308, %dma_start3A_309] : memref<2x128x16xf32, #tpu.memory_space<vmem>> -> memref<1x128x16xf32, #tpu.memory_space<vmem>>
            %dma_start3A_311 = tpu.memref_squeeze %dma_start3A_310 : memref<1x128x16xf32, #tpu.memory_space<vmem>> -> memref<128x16xf32, #tpu.memory_space<vmem>>
            tpu.enqueue_dma source(%dma_start3A_311 : memref<128x16xf32, #tpu.memory_space<vmem>>) target(%dma_start3A_307 : memref<128x16xf32, #tpu.memory_space<hbm>>) target_semaphore(%dma_start3A_305 : memref<!tpu.dma_semaphore, #tpu.memory_space<semaphore_mem>>)
            "tpu.trace_stop"() : () -> ()
          } else {
          }
          %and3A_248 = arith.constant true
          %and3A_249 = arith.andi %or3A_244, %and3A_248 : i1
          %add3A_250 = arith.constant 1 : i32
          %add3A_251 = arith.addi %while3A_145, %add3A_250 : i32
          %select_n3A_252 = arith.select %and3A_249, %add3A_251, %while3A_145 : i32
          %ne3A_253 = arith.cmpi ne, %add3A_155, %add3A_165 : i32
          %or3A_254 = arith.constant false
          %or3A_255 = arith.ori %or3A_254, %ne3A_253 : i1
          %not3A_256 = arith.constant true
          %not3A_257 = arith.xori %eq3A_151, %not3A_256 : i1
          %and3A_258 = arith.andi %or3A_255, %not3A_257 : i1
          %convert_element_type3A_259 = arith.extui %and3A_258 : i1 to i32
          %cond3A_260 = arith.constant 0 : i32
          %cond3A_261 = arith.cmpi ne, %convert_element_type3A_259, %cond3A_260 : i32
          scf.if %cond3A_261 {
          } else {
          }
          %and3A_262 = arith.constant false
          %and3A_263 = arith.andi %and3A_258, %and3A_262 : i1
          %ne3A_264 = arith.cmpi ne, %add3A_155, %add3A_165 : i32
          %or3A_265 = arith.constant false
          %or3A_266 = arith.ori %or3A_265, %ne3A_264 : i1
          %or3A_267 = arith.constant false
          %or3A_268 = arith.ori %or3A_266, %or3A_267 : i1
          %not3A_269 = arith.constant true
          %not3A_270 = arith.xori %eq3A_151, %not3A_269 : i1
          %and3A_271 = arith.andi %or3A_268, %not3A_270 : i1
          %convert_element_type3A_272 = arith.extui %and3A_271 : i1 to i32
          %cond3A_273 = arith.constant 0 : i32
          %cond3A_274 = arith.cmpi ne, %convert_element_type3A_272, %cond3A_273 : i32
          scf.if %cond3A_274 {
            "tpu.trace_start"() <{level = 10 : i32, message = "ep_wait_out"}> : () -> ()
            %rem3A_294 = arith.constant 2 : i32
            %rem3A_295 = arith.remui %while3A_146, %rem3A_294 : i32
            %mul3A_296 = arith.constant 128 : i32
            %mul3A_297 = arith.muli %mul3A_296, %add3A_165 : i32
            %dma_wait3A = arith.constant 0 : i32
            %dma_wait3A_298 = arith.constant 0 : i32
            %dma_wait3A_299 = tpu.memref_slice %run_scoped3A_18[%rem3A_295, %dma_wait3A, %dma_wait3A_298] : memref<2x128x16xf32, #tpu.memory_space<vmem>> -> memref<1x128x16xf32, #tpu.memory_space<vmem>>
            %dma_wait3A_300 = tpu.memref_squeeze %dma_wait3A_299 : memref<1x128x16xf32, #tpu.memory_space<vmem>> -> memref<128x16xf32, #tpu.memory_space<vmem>>
            %dma_wait3A_301 = arith.constant 0 : i32
            %dma_wait3A_302 = tpu.memref_slice %arg4[%mul3A_297, %dma_wait3A_301] : memref<320000x16xf32, #tpu.memory_space<hbm>> -> memref<128x16xf32, #tpu.memory_space<hbm>>
            %dma_wait3A_303 = tpu.memref_slice %run_scoped3A_19[%rem3A_295] : memref<2x!tpu.dma_semaphore, #tpu.memory_space<semaphore_mem>> -> memref<1x!tpu.dma_semaphore, #tpu.memory_space<semaphore_mem>>
            %dma_wait3A_304 = tpu.memref_squeeze %dma_wait3A_303 : memref<1x!tpu.dma_semaphore, #tpu.memory_space<semaphore_mem>> -> memref<!tpu.dma_semaphore, #tpu.memory_space<semaphore_mem>>
            %dma_wait3A_305 = arith.constant 0 : i32
            %dma_wait3A_306 = tpu.memref_slice %arg4[%mul3A_297, %dma_wait3A_305] : memref<320000x16xf32, #tpu.memory_space<hbm>> -> memref<128x16xf32, #tpu.memory_space<hbm>>
            %dma_wait3A_307 = arith.constant 0 : i32
            %dma_wait3A_308 = arith.constant 0 : i32
            %dma_wait3A_309 = tpu.memref_slice %run_scoped3A_18[%rem3A_295, %dma_wait3A_307, %dma_wait3A_308] : memref<2x128x16xf32, #tpu.memory_space<vmem>> -> memref<1x128x16xf32, #tpu.memory_space<vmem>>
            %dma_wait3A_310 = tpu.memref_squeeze %dma_wait3A_309 : memref<1x128x16xf32, #tpu.memory_space<vmem>> -> memref<128x16xf32, #tpu.memory_space<vmem>>
            tpu.wait_dma2 semaphore(%dma_wait3A_304 : memref<!tpu.dma_semaphore, #tpu.memory_space<semaphore_mem>>) src(%dma_wait3A_310 : memref<128x16xf32, #tpu.memory_space<vmem>>) dst(%dma_wait3A_306 : memref<128x16xf32, #tpu.memory_space<hbm>>)
            "tpu.trace_stop"() : () -> ()
          } else {
          }
          %and3A_275 = arith.constant true
          %and3A_276 = arith.andi %and3A_271, %and3A_275 : i1
          %add3A_277 = arith.constant 1 : i32
          %add3A_278 = arith.addi %while3A_146, %add3A_277 : i32
          %select_n3A_279 = arith.select %and3A_276, %add3A_278, %while3A_146 : i32
          %ne3A_280 = arith.cmpi ne, %add3A_155, %add3A_173 : i32
          %or3A_281 = arith.constant false
          %or3A_282 = arith.ori %or3A_281, %ne3A_280 : i1
          %or3A_283 = arith.ori %or3A_282, %eq3A_154 : i1
          %add3A_284 = arith.constant 1 : i32
          %add3A_285 = arith.addi %while3A_144, %add3A_284 : i32
          %select_n3A_286 = arith.select %or3A_283, %add3A_285, %while3A_144 : i32
          %add3A_287 = arith.constant 1 : i32
          %add3A_288 = arith.addi %while3A_147, %add3A_287 : i32
          %select_n3A_289 = arith.constant true
          %select_n3A_290 = arith.select %select_n3A_289, %add3A_288, %while3A_147 : i32
          %eq3A_291 = arith.cmpi eq, %select_n3A_290, %select_n3A : i32
          %select_n3A_292 = arith.constant 0 : i32
          %select_n3A_293 = arith.select %eq3A_291, %select_n3A_292, %select_n3A_290 : i32
          scf.yield %select_n3A_195, %select_n3A_286, %select_n3A_252, %select_n3A_279, %select_n3A_293 : i32, i32, i32, i32, i32
        }
        %while3A_89 = arith.constant 1 : i32
        %while3A_90:5 = scf.for %while3A_142 = %while3A_86 to %while3A_82 step %while3A_89 iter_args(%while3A_143 = %while3A_88#0, %while3A_144 = %while3A_88#1, %while3A_145 = %while3A_88#2, %while3A_146 = %while3A_88#3, %while3A_147 = %while3A_88#4) -> (i32, i32, i32, i32, i32)  : i32 {
          %mul3A_148 = arith.constant 1 : i32
          %mul3A_149 = arith.muli %mul3A_148, %select_n3A : i32
          %eq3A_150 = arith.constant 0 : i32
          %eq3A_151 = arith.cmpi eq, %while3A_142, %eq3A_150 : i32
          %sub3A_152 = arith.constant 1 : i32
          %sub3A_153 = arith.subi %mul3A_149, %sub3A_152 : i32
          %eq3A_154 = arith.cmpi eq, %while3A_142, %sub3A_153 : i32
          %add3A_155 = arith.addi %while3A_147, %select_n3A_14 : i32
          %sub3A_156 = arith.constant 1 : i32
          %sub3A_157 = arith.subi %while3A_147, %sub3A_156 : i32
          %select_n3A_158 = arith.constant true
          %select_n3A_159 = arith.select %select_n3A_158, %sub3A_157, %while3A_147 : i32
          %eq3A_160 = arith.constant -1 : i32
          %eq3A_161 = arith.cmpi eq, %select_n3A_159, %eq3A_160 : i32
          %sub3A_162 = arith.constant 1 : i32
          %sub3A_163 = arith.subi %select_n3A, %sub3A_162 : i32
          %select_n3A_164 = arith.select %eq3A_161, %sub3A_163, %select_n3A_159 : i32
          %add3A_165 = arith.addi %select_n3A_164, %select_n3A_14 : i32
          %add3A_166 = arith.constant 1 : i32
          %add3A_167 = arith.addi %while3A_147, %add3A_166 : i32
          %select_n3A_168 = arith.constant true
          %select_n3A_169 = arith.select %select_n3A_168, %add3A_167, %while3A_147 : i32
          %eq3A_170 = arith.cmpi eq, %select_n3A_169, %select_n3A : i32
          %select_n3A_171 = arith.constant 0 : i32
          %select_n3A_172 = arith.select %eq3A_170, %select_n3A_171, %select_n3A_169 : i32
          %add3A_173 = arith.addi %select_n3A_172, %select_n3A_14 : i32
          %add3A_174 = arith.constant 1 : i32
          %add3A_175 = arith.addi %select_n3A_172, %add3A_174 : i32
          %select_n3A_176 = arith.constant true
          %select_n3A_177 = arith.select %select_n3A_176, %add3A_175, %select_n3A_172 : i32
          %eq3A_178 = arith.cmpi eq, %select_n3A_177, %select_n3A : i32
          %select_n3A_179 = arith.constant 0 : i32
          %select_n3A_180 = arith.select %eq3A_178, %select_n3A_179, %select_n3A_177 : i32
          %add3A_181 = arith.addi %select_n3A_180, %select_n3A_14 : i32
          %ne3A = arith.cmpi ne, %add3A_155, %add3A_173 : i32
          %or3A = arith.constant false
          %or3A_182 = arith.ori %or3A, %ne3A : i1
          %sub3A_183 = arith.constant 2 : i32
          %sub3A_184 = arith.subi %mul3A_149, %sub3A_183 : i32
          %add3A_185 = arith.constant 1 : i32
          %add3A_186 = arith.addi %sub3A_184, %add3A_185 : i32
          %ge3A = arith.cmpi sge, %while3A_142, %add3A_186 : i32
          %not3A = arith.constant true
          %not3A_187 = arith.xori %ge3A, %not3A : i1
          %and3A = arith.andi %or3A_182, %not3A_187 : i1
          %convert_element_type3A_188 = arith.extui %and3A : i1 to i32
          %cond3A_189 = arith.constant 0 : i32
          %cond3A_190 = arith.cmpi ne, %convert_element_type3A_188, %cond3A_189 : i32
          scf.if %cond3A_190 {
            "tpu.trace_start"() <{level = 10 : i32, message = "ep_copy_in"}> : () -> ()
            %rem3A_294 = arith.constant 2 : i32
            %rem3A_295 = arith.remui %while3A_143, %rem3A_294 : i32
            %mul3A_296 = arith.constant 128 : i32
            %mul3A_297 = arith.muli %mul3A_296, %add3A_173 : i32
            %dma_start3A_298 = arith.constant 0 : i32
            %dma_start3A_299 = arith.constant 0 : i32
            %dma_start3A_300 = tpu.memref_slice %run_scoped3A[%rem3A_295, %dma_start3A_298, %dma_start3A_299] : memref<2x1x128xi32, #tpu.memory_space<vmem>> -> memref<1x1x128xi32, #tpu.memory_space<vmem>>
            %dma_start3A_301 = tpu.memref_squeeze %dma_start3A_300 : memref<1x1x128xi32, #tpu.memory_space<vmem>> -> memref<1x128xi32, #tpu.memory_space<vmem>>
            %dma_start3A_302 = arith.constant 0 : i32
            %dma_start3A_303 = tpu.memref_slice %arg3[%dma_start3A_302, %mul3A_297] : memref<1x320000xi32, #tpu.memory_space<hbm>> -> memref<1x128xi32, #tpu.memory_space<hbm>>
            %dma_start3A_304 = tpu.memref_slice %run_scoped3A_17[%rem3A_295] : memref<2x!tpu.dma_semaphore, #tpu.memory_space<semaphore_mem>> -> memref<1x!tpu.dma_semaphore, #tpu.memory_space<semaphore_mem>>
            %dma_start3A_305 = tpu.memref_squeeze %dma_start3A_304 : memref<1x!tpu.dma_semaphore, #tpu.memory_space<semaphore_mem>> -> memref<!tpu.dma_semaphore, #tpu.memory_space<semaphore_mem>>
            %dma_start3A_306 = arith.constant 0 : i32
            %dma_start3A_307 = arith.constant 0 : i32
            %dma_start3A_308 = tpu.memref_slice %run_scoped3A[%rem3A_295, %dma_start3A_306, %dma_start3A_307] : memref<2x1x128xi32, #tpu.memory_space<vmem>> -> memref<1x1x128xi32, #tpu.memory_space<vmem>>
            %dma_start3A_309 = tpu.memref_squeeze %dma_start3A_308 : memref<1x1x128xi32, #tpu.memory_space<vmem>> -> memref<1x128xi32, #tpu.memory_space<vmem>>
            %dma_start3A_310 = arith.constant 0 : i32
            %dma_start3A_311 = tpu.memref_slice %arg3[%dma_start3A_310, %mul3A_297] : memref<1x320000xi32, #tpu.memory_space<hbm>> -> memref<1x128xi32, #tpu.memory_space<hbm>>
            tpu.enqueue_dma source(%dma_start3A_311 : memref<1x128xi32, #tpu.memory_space<hbm>>) target(%dma_start3A_309 : memref<1x128xi32, #tpu.memory_space<vmem>>) target_semaphore(%dma_start3A_305 : memref<!tpu.dma_semaphore, #tpu.memory_space<semaphore_mem>>)
            "tpu.trace_stop"() : () -> ()
          } else {
          }
          %and3A_191 = arith.constant true
          %and3A_192 = arith.andi %and3A, %and3A_191 : i1
          %add3A_193 = arith.constant 1 : i32
          %add3A_194 = arith.addi %while3A_143, %add3A_193 : i32
          %select_n3A_195 = arith.select %and3A_192, %add3A_194, %while3A_143 : i32
          %ne3A_196 = arith.cmpi ne, %add3A_155, %add3A_173 : i32
          %or3A_197 = arith.constant false
          %or3A_198 = arith.ori %or3A_197, %ne3A_196 : i1
          %or3A_199 = arith.constant false
          %or3A_200 = arith.ori %or3A_198, %or3A_199 : i1
          %sub3A_201 = arith.constant 2 : i32
          %sub3A_202 = arith.subi %mul3A_149, %sub3A_201 : i32
          %add3A_203 = arith.constant 1 : i32
          %add3A_204 = arith.addi %sub3A_202, %add3A_203 : i32
          %ge3A_205 = arith.cmpi sge, %while3A_142, %add3A_204 : i32
          %not3A_206 = arith.constant true
          %not3A_207 = arith.xori %ge3A_205, %not3A_206 : i1
          %and3A_208 = arith.andi %or3A_200, %not3A_207 : i1
          %ne3A_209 = arith.cmpi ne, %add3A_155, %add3A_165 : i32
          %or3A_210 = arith.constant false
          %or3A_211 = arith.ori %or3A_210, %ne3A_209 : i1
          %or3A_212 = arith.ori %or3A_211, %eq3A_151 : i1
          %convert_element_type3A_213 = arith.extui %or3A_212 : i1 to i32
          %cond3A_214 = arith.constant 0 : i32
          %cond3A_215 = arith.cmpi ne, %convert_element_type3A_213, %cond3A_214 : i32
          scf.if %cond3A_215 {
            "tpu.trace_start"() <{level = 10 : i32, message = "ep_wait_in"}> : () -> ()
            %mul3A_294 = arith.constant 128 : i32
            %mul3A_295 = arith.muli %mul3A_294, %add3A_155 : i32
            %rem3A_296 = arith.constant 2 : i32
            %rem3A_297 = arith.remui %while3A_144, %rem3A_296 : i32
            %dma_wait3A = arith.constant 0 : i32
            %dma_wait3A_298 = arith.constant 0 : i32
            %dma_wait3A_299 = tpu.memref_slice %run_scoped3A[%rem3A_297, %dma_wait3A, %dma_wait3A_298] : memref<2x1x128xi32, #tpu.memory_space<vmem>> -> memref<1x1x128xi32, #tpu.memory_space<vmem>>
            %dma_wait3A_300 = tpu.memref_squeeze %dma_wait3A_299 : memref<1x1x128xi32, #tpu.memory_space<vmem>> -> memref<1x128xi32, #tpu.memory_space<vmem>>
            %dma_wait3A_301 = arith.constant 0 : i32
            %dma_wait3A_302 = tpu.memref_slice %arg3[%dma_wait3A_301, %mul3A_295] : memref<1x320000xi32, #tpu.memory_space<hbm>> -> memref<1x128xi32, #tpu.memory_space<hbm>>
            %dma_wait3A_303 = tpu.memref_slice %run_scoped3A_17[%rem3A_297] : memref<2x!tpu.dma_semaphore, #tpu.memory_space<semaphore_mem>> -> memref<1x!tpu.dma_semaphore, #tpu.memory_space<semaphore_mem>>
            %dma_wait3A_304 = tpu.memref_squeeze %dma_wait3A_303 : memref<1x!tpu.dma_semaphore, #tpu.memory_space<semaphore_mem>> -> memref<!tpu.dma_semaphore, #tpu.memory_space<semaphore_mem>>
            %dma_wait3A_305 = arith.constant 0 : i32
            %dma_wait3A_306 = arith.constant 0 : i32
            %dma_wait3A_307 = tpu.memref_slice %run_scoped3A[%rem3A_297, %dma_wait3A_305, %dma_wait3A_306] : memref<2x1x128xi32, #tpu.memory_space<vmem>> -> memref<1x1x128xi32, #tpu.memory_space<vmem>>
            %dma_wait3A_308 = tpu.memref_squeeze %dma_wait3A_307 : memref<1x1x128xi32, #tpu.memory_space<vmem>> -> memref<1x128xi32, #tpu.memory_space<vmem>>
            %dma_wait3A_309 = arith.constant 0 : i32
            %dma_wait3A_310 = tpu.memref_slice %arg3[%dma_wait3A_309, %mul3A_295] : memref<1x320000xi32, #tpu.memory_space<hbm>> -> memref<1x128xi32, #tpu.memory_space<hbm>>
            tpu.wait_dma2 semaphore(%dma_wait3A_304 : memref<!tpu.dma_semaphore, #tpu.memory_space<semaphore_mem>>) src(%dma_wait3A_310 : memref<1x128xi32, #tpu.memory_space<hbm>>) dst(%dma_wait3A_308 : memref<1x128xi32, #tpu.memory_space<vmem>>)
            "tpu.trace_stop"() : () -> ()
          } else {
          }
          %ne3A_216 = arith.cmpi ne, %add3A_155, %add3A_165 : i32
          %or3A_217 = arith.constant false
          %or3A_218 = arith.ori %or3A_217, %ne3A_216 : i1
          %or3A_219 = arith.constant false
          %or3A_220 = arith.ori %or3A_218, %or3A_219 : i1
          %or3A_221 = arith.ori %or3A_220, %eq3A_151 : i1
          %convert_element_type3A_222 = arith.extui %or3A_221 : i1 to i32
          %cond3A_223 = arith.constant 0 : i32
          %cond3A_224 = arith.cmpi ne, %convert_element_type3A_222, %cond3A_223 : i32
          scf.if %cond3A_224 {
          } else {
          }
          %rem3A_225 = arith.constant 2 : i32
          %rem3A_226 = arith.remui %while3A_144, %rem3A_225 : i32
          %rem3A_227 = arith.constant 2 : i32
          %rem3A_228 = arith.remui %while3A_145, %rem3A_227 : i32
          %run_scoped3A_229 = arith.constant 0 : i32
          "tpu.trace_start"() <{level = 10 : i32, message = "ep_run_kernel"}> : () -> ()
          "tpu.region"() ({
            %run_scoped3A_294 = tpu.sem_alloc : memref<!tpu.dma_semaphore, #tpu.memory_space<semaphore_mem>>
            %dma_start3A_295 = arith.constant 0 : i32
            %dma_start3A_296 = arith.constant 0 : i32
            %dma_start3A_297 = tpu.memref_slice %run_scoped3A_18[%rem3A_228, %dma_start3A_295, %dma_start3A_296] : memref<2x128x16xf32, #tpu.memory_space<vmem>> -> memref<1x128x16xf32, #tpu.memory_space<vmem>>
            %dma_start3A_298 = tpu.memref_squeeze %dma_start3A_297 : memref<1x128x16xf32, #tpu.memory_space<vmem>> -> memref<128x16xf32, #tpu.memory_space<vmem>>
            %dma_start3A_299 = arith.constant 0 : i32
            %dma_start3A_300 = arith.constant 0 : i32
            %dma_start3A_301 = tpu.memref_slice %run_scoped3A[%rem3A_226, %dma_start3A_299, %dma_start3A_300] : memref<2x1x128xi32, #tpu.memory_space<vmem>> -> memref<1x1x128xi32, #tpu.memory_space<vmem>>
            %dma_start3A_302 = tpu.memref_squeeze %dma_start3A_301 : memref<1x1x128xi32, #tpu.memory_space<vmem>> -> memref<1x128xi32, #tpu.memory_space<vmem>>
            %dma_start3A_303 = arith.constant 0 : i32
            %dma_start3A_304 = tpu.memref_slice %dma_start3A_302[%run_scoped3A_229, %dma_start3A_303] : memref<1x128xi32, #tpu.memory_space<vmem>> -> memref<1x128xi32, #tpu.memory_space<vmem>>
            %dma_start3A_305 = tpu.memref_squeeze %dma_start3A_304 : memref<1x128xi32, #tpu.memory_space<vmem>> -> memref<128xi32, #tpu.memory_space<vmem>>
            %dma_start3A_306 = arith.constant 0 : i32
            %dma_start3A_307 = arith.constant 0 : i32
            %dma_start3A_308 = tpu.memref_slice %arg2[%dma_start3A_306, %dma_start3A_307] : memref<10000x16xf32, #tpu.memory_space<hbm>> -> memref<10000x16xf32, #tpu.memory_space<hbm>>
            tpu.enqueue_indirect_dma source(%dma_start3A_308 : memref<10000x16xf32, #tpu.memory_space<hbm>>) target(%dma_start3A_298 : memref<128x16xf32, #tpu.memory_space<vmem>>) offsets(%dma_start3A_305 : memref<128xi32, #tpu.memory_space<vmem>>) semaphore(%run_scoped3A_294 : memref<!tpu.dma_semaphore, #tpu.memory_space<semaphore_mem>>)
            %dma_wait3A = arith.constant 0 : i32
            %dma_wait3A_309 = arith.constant 0 : i32
            %dma_wait3A_310 = tpu.memref_slice %run_scoped3A_18[%rem3A_228, %dma_wait3A, %dma_wait3A_309] : memref<2x128x16xf32, #tpu.memory_space<vmem>> -> memref<1x128x16xf32, #tpu.memory_space<vmem>>
            %dma_wait3A_311 = tpu.memref_squeeze %dma_wait3A_310 : memref<1x128x16xf32, #tpu.memory_space<vmem>> -> memref<128x16xf32, #tpu.memory_space<vmem>>
            %dma_wait3A_312 = arith.constant 0 : i32
            %dma_wait3A_313 = arith.constant 0 : i32
            %dma_wait3A_314 = tpu.memref_slice %run_scoped3A[%rem3A_226, %dma_wait3A_312, %dma_wait3A_313] : memref<2x1x128xi32, #tpu.memory_space<vmem>> -> memref<1x1x128xi32, #tpu.memory_space<vmem>>
            %dma_wait3A_315 = tpu.memref_squeeze %dma_wait3A_314 : memref<1x1x128xi32, #tpu.memory_space<vmem>> -> memref<1x128xi32, #tpu.memory_space<vmem>>
            %dma_wait3A_316 = arith.constant 0 : i32
            %dma_wait3A_317 = tpu.memref_slice %dma_wait3A_315[%run_scoped3A_229, %dma_wait3A_316] : memref<1x128xi32, #tpu.memory_space<vmem>> -> memref<1x128xi32, #tpu.memory_space<vmem>>
            %dma_wait3A_318 = tpu.memref_squeeze %dma_wait3A_317 : memref<1x128xi32, #tpu.memory_space<vmem>> -> memref<128xi32, #tpu.memory_space<vmem>>
            %dma_wait3A_319 = arith.constant 0 : i32
            %dma_wait3A_320 = arith.constant 0 : i32
            %dma_wait3A_321 = tpu.memref_slice %arg2[%dma_wait3A_319, %dma_wait3A_320] : memref<10000x16xf32, #tpu.memory_space<hbm>> -> memref<10000x16xf32, #tpu.memory_space<hbm>>
            tpu.wait_indirect_dma semaphore(%run_scoped3A_294 : memref<!tpu.dma_semaphore, #tpu.memory_space<semaphore_mem>>) src(%dma_wait3A_321 : memref<10000x16xf32, #tpu.memory_space<hbm>>) dst(%dma_wait3A_311 : memref<128x16xf32, #tpu.memory_space<vmem>>)
            tpu.yield
          }) : () -> ()
          "tpu.trace_stop"() : () -> ()
          %ne3A_230 = arith.cmpi ne, %add3A_155, %add3A_173 : i32
          %or3A_231 = arith.constant false
          %or3A_232 = arith.ori %or3A_231, %ne3A_230 : i1
          %or3A_233 = arith.ori %or3A_232, %eq3A_154 : i1
          %convert_element_type3A_234 = arith.extui %or3A_233 : i1 to i32
          %cond3A_235 = arith.constant 0 : i32
          %cond3A_236 = arith.cmpi ne, %convert_element_type3A_234, %cond3A_235 : i32
          scf.if %cond3A_236 {
          } else {
          }
          %and3A_237 = arith.constant false
          %and3A_238 = arith.andi %or3A_233, %and3A_237 : i1
          %ne3A_239 = arith.cmpi ne, %add3A_155, %add3A_173 : i32
          %or3A_240 = arith.constant false
          %or3A_241 = arith.ori %or3A_240, %ne3A_239 : i1
          %or3A_242 = arith.constant false
          %or3A_243 = arith.ori %or3A_241, %or3A_242 : i1
          %or3A_244 = arith.ori %or3A_243, %eq3A_154 : i1
          %convert_element_type3A_245 = arith.extui %or3A_244 : i1 to i32
          %cond3A_246 = arith.constant 0 : i32
          %cond3A_247 = arith.cmpi ne, %convert_element_type3A_245, %cond3A_246 : i32
          scf.if %cond3A_247 {
            "tpu.trace_start"() <{level = 10 : i32, message = "ep_copy_out"}> : () -> ()
            %rem3A_294 = arith.constant 2 : i32
            %rem3A_295 = arith.remui %while3A_145, %rem3A_294 : i32
            %mul3A_296 = arith.constant 128 : i32
            %mul3A_297 = arith.muli %mul3A_296, %add3A_155 : i32
            %dma_start3A_298 = arith.constant 0 : i32
            %dma_start3A_299 = arith.constant 0 : i32
            %dma_start3A_300 = tpu.memref_slice %run_scoped3A_18[%rem3A_295, %dma_start3A_298, %dma_start3A_299] : memref<2x128x16xf32, #tpu.memory_space<vmem>> -> memref<1x128x16xf32, #tpu.memory_space<vmem>>
            %dma_start3A_301 = tpu.memref_squeeze %dma_start3A_300 : memref<1x128x16xf32, #tpu.memory_space<vmem>> -> memref<128x16xf32, #tpu.memory_space<vmem>>
            %dma_start3A_302 = arith.constant 0 : i32
            %dma_start3A_303 = tpu.memref_slice %arg4[%mul3A_297, %dma_start3A_302] : memref<320000x16xf32, #tpu.memory_space<hbm>> -> memref<128x16xf32, #tpu.memory_space<hbm>>
            %dma_start3A_304 = tpu.memref_slice %run_scoped3A_19[%rem3A_295] : memref<2x!tpu.dma_semaphore, #tpu.memory_space<semaphore_mem>> -> memref<1x!tpu.dma_semaphore, #tpu.memory_space<semaphore_mem>>
            %dma_start3A_305 = tpu.memref_squeeze %dma_start3A_304 : memref<1x!tpu.dma_semaphore, #tpu.memory_space<semaphore_mem>> -> memref<!tpu.dma_semaphore, #tpu.memory_space<semaphore_mem>>
            %dma_start3A_306 = arith.constant 0 : i32
            %dma_start3A_307 = tpu.memref_slice %arg4[%mul3A_297, %dma_start3A_306] : memref<320000x16xf32, #tpu.memory_space<hbm>> -> memref<128x16xf32, #tpu.memory_space<hbm>>
            %dma_start3A_308 = arith.constant 0 : i32
            %dma_start3A_309 = arith.constant 0 : i32
            %dma_start3A_310 = tpu.memref_slice %run_scoped3A_18[%rem3A_295, %dma_start3A_308, %dma_start3A_309] : memref<2x128x16xf32, #tpu.memory_space<vmem>> -> memref<1x128x16xf32, #tpu.memory_space<vmem>>
            %dma_start3A_311 = tpu.memref_squeeze %dma_start3A_310 : memref<1x128x16xf32, #tpu.memory_space<vmem>> -> memref<128x16xf32, #tpu.memory_space<vmem>>
            tpu.enqueue_dma source(%dma_start3A_311 : memref<128x16xf32, #tpu.memory_space<vmem>>) target(%dma_start3A_307 : memref<128x16xf32, #tpu.memory_space<hbm>>) target_semaphore(%dma_start3A_305 : memref<!tpu.dma_semaphore, #tpu.memory_space<semaphore_mem>>)
            "tpu.trace_stop"() : () -> ()
          } else {
          }
          %and3A_248 = arith.constant true
          %and3A_249 = arith.andi %or3A_244, %and3A_248 : i1
          %add3A_250 = arith.constant 1 : i32
          %add3A_251 = arith.addi %while3A_145, %add3A_250 : i32
          %select_n3A_252 = arith.select %and3A_249, %add3A_251, %while3A_145 : i32
          %ne3A_253 = arith.cmpi ne, %add3A_155, %add3A_165 : i32
          %or3A_254 = arith.constant false
          %or3A_255 = arith.ori %or3A_254, %ne3A_253 : i1
          %not3A_256 = arith.constant true
          %not3A_257 = arith.xori %eq3A_151, %not3A_256 : i1
          %and3A_258 = arith.andi %or3A_255, %not3A_257 : i1
          %convert_element_type3A_259 = arith.extui %and3A_258 : i1 to i32
          %cond3A_260 = arith.constant 0 : i32
          %cond3A_261 = arith.cmpi ne, %convert_element_type3A_259, %cond3A_260 : i32
          scf.if %cond3A_261 {
          } else {
          }
          %and3A_262 = arith.constant false
          %and3A_263 = arith.andi %and3A_258, %and3A_262 : i1
          %ne3A_264 = arith.cmpi ne, %add3A_155, %add3A_165 : i32
          %or3A_265 = arith.constant false
          %or3A_266 = arith.ori %or3A_265, %ne3A_264 : i1
          %or3A_267 = arith.constant false
          %or3A_268 = arith.ori %or3A_266, %or3A_267 : i1
          %not3A_269 = arith.constant true
          %not3A_270 = arith.xori %eq3A_151, %not3A_269 : i1
          %and3A_271 = arith.andi %or3A_268, %not3A_270 : i1
          %convert_element_type3A_272 = arith.extui %and3A_271 : i1 to i32
          %cond3A_273 = arith.constant 0 : i32
          %cond3A_274 = arith.cmpi ne, %convert_element_type3A_272, %cond3A_273 : i32
          scf.if %cond3A_274 {
            "tpu.trace_start"() <{level = 10 : i32, message = "ep_wait_out"}> : () -> ()
            %rem3A_294 = arith.constant 2 : i32
            %rem3A_295 = arith.remui %while3A_146, %rem3A_294 : i32
            %mul3A_296 = arith.constant 128 : i32
            %mul3A_297 = arith.muli %mul3A_296, %add3A_165 : i32
            %dma_wait3A = arith.constant 0 : i32
            %dma_wait3A_298 = arith.constant 0 : i32
            %dma_wait3A_299 = tpu.memref_slice %run_scoped3A_18[%rem3A_295, %dma_wait3A, %dma_wait3A_298] : memref<2x128x16xf32, #tpu.memory_space<vmem>> -> memref<1x128x16xf32, #tpu.memory_space<vmem>>
            %dma_wait3A_300 = tpu.memref_squeeze %dma_wait3A_299 : memref<1x128x16xf32, #tpu.memory_space<vmem>> -> memref<128x16xf32, #tpu.memory_space<vmem>>
            %dma_wait3A_301 = arith.constant 0 : i32
            %dma_wait3A_302 = tpu.memref_slice %arg4[%mul3A_297, %dma_wait3A_301] : memref<320000x16xf32, #tpu.memory_space<hbm>> -> memref<128x16xf32, #tpu.memory_space<hbm>>
            %dma_wait3A_303 = tpu.memref_slice %run_scoped3A_19[%rem3A_295] : memref<2x!tpu.dma_semaphore, #tpu.memory_space<semaphore_mem>> -> memref<1x!tpu.dma_semaphore, #tpu.memory_space<semaphore_mem>>
            %dma_wait3A_304 = tpu.memref_squeeze %dma_wait3A_303 : memref<1x!tpu.dma_semaphore, #tpu.memory_space<semaphore_mem>> -> memref<!tpu.dma_semaphore, #tpu.memory_space<semaphore_mem>>
            %dma_wait3A_305 = arith.constant 0 : i32
            %dma_wait3A_306 = tpu.memref_slice %arg4[%mul3A_297, %dma_wait3A_305] : memref<320000x16xf32, #tpu.memory_space<hbm>> -> memref<128x16xf32, #tpu.memory_space<hbm>>
            %dma_wait3A_307 = arith.constant 0 : i32
            %dma_wait3A_308 = arith.constant 0 : i32
            %dma_wait3A_309 = tpu.memref_slice %run_scoped3A_18[%rem3A_295, %dma_wait3A_307, %dma_wait3A_308] : memref<2x128x16xf32, #tpu.memory_space<vmem>> -> memref<1x128x16xf32, #tpu.memory_space<vmem>>
            %dma_wait3A_310 = tpu.memref_squeeze %dma_wait3A_309 : memref<1x128x16xf32, #tpu.memory_space<vmem>> -> memref<128x16xf32, #tpu.memory_space<vmem>>
            tpu.wait_dma2 semaphore(%dma_wait3A_304 : memref<!tpu.dma_semaphore, #tpu.memory_space<semaphore_mem>>) src(%dma_wait3A_310 : memref<128x16xf32, #tpu.memory_space<vmem>>) dst(%dma_wait3A_306 : memref<128x16xf32, #tpu.memory_space<hbm>>)
            "tpu.trace_stop"() : () -> ()
          } else {
          }
          %and3A_275 = arith.constant true
          %and3A_276 = arith.andi %and3A_271, %and3A_275 : i1
          %add3A_277 = arith.constant 1 : i32
          %add3A_278 = arith.addi %while3A_146, %add3A_277 : i32
          %select_n3A_279 = arith.select %and3A_276, %add3A_278, %while3A_146 : i32
          %ne3A_280 = arith.cmpi ne, %add3A_155, %add3A_173 : i32
          %or3A_281 = arith.constant false
          %or3A_282 = arith.ori %or3A_281, %ne3A_280 : i1
          %or3A_283 = arith.ori %or3A_282, %eq3A_154 : i1
          %add3A_284 = arith.constant 1 : i32
          %add3A_285 = arith.addi %while3A_144, %add3A_284 : i32
          %select_n3A_286 = arith.select %or3A_283, %add3A_285, %while3A_144 : i32
          %add3A_287 = arith.constant 1 : i32
          %add3A_288 = arith.addi %while3A_147, %add3A_287 : i32
          %select_n3A_289 = arith.constant true
          %select_n3A_290 = arith.select %select_n3A_289, %add3A_288, %while3A_147 : i32
          %eq3A_291 = arith.cmpi eq, %select_n3A_290, %select_n3A : i32
          %select_n3A_292 = arith.constant 0 : i32
          %select_n3A_293 = arith.select %eq3A_291, %select_n3A_292, %select_n3A_290 : i32
          scf.yield %select_n3A_195, %select_n3A_286, %select_n3A_252, %select_n3A_279, %select_n3A_293 : i32, i32, i32, i32, i32
        }
        %sub3A_91 = arith.constant 1 : i32
        %sub3A_92 = arith.subi %while3A_90#4, %sub3A_91 : i32
        %select_n3A_93 = arith.constant true
        %select_n3A_94 = arith.select %select_n3A_93, %sub3A_92, %while3A_90#4 : i32
        %eq3A_95 = arith.constant -1 : i32
        %eq3A_96 = arith.cmpi eq, %select_n3A_94, %eq3A_95 : i32
        %sub3A_97 = arith.constant 1 : i32
        %sub3A_98 = arith.subi %select_n3A, %sub3A_97 : i32
        %select_n3A_99 = arith.select %eq3A_96, %sub3A_98, %select_n3A_94 : i32
        %sub3A_100 = arith.constant 1 : i32
        %sub3A_101 = arith.subi %mul3A_16, %sub3A_100 : i32
        %mul3A_102 = arith.constant 1 : i32
        %mul3A_103 = arith.muli %mul3A_102, %select_n3A : i32
        %eq3A_104 = arith.constant 0 : i32
        %eq3A_105 = arith.cmpi eq, %sub3A_101, %eq3A_104 : i32
        %sub3A_106 = arith.constant 1 : i32
        %sub3A_107 = arith.subi %mul3A_103, %sub3A_106 : i32
        %eq3A_108 = arith.cmpi eq, %sub3A_101, %sub3A_107 : i32
        %add3A_109 = arith.addi %select_n3A_99, %select_n3A_14 : i32
        %sub3A_110 = arith.constant 1 : i32
        %sub3A_111 = arith.subi %select_n3A_99, %sub3A_110 : i32
        %select_n3A_112 = arith.constant true
        %select_n3A_113 = arith.select %select_n3A_112, %sub3A_111, %select_n3A_99 : i32
        %eq3A_114 = arith.constant -1 : i32
        %eq3A_115 = arith.cmpi eq, %select_n3A_113, %eq3A_114 : i32
        %sub3A_116 = arith.constant 1 : i32
        %sub3A_117 = arith.subi %select_n3A, %sub3A_116 : i32
        %select_n3A_118 = arith.select %eq3A_115, %sub3A_117, %select_n3A_113 : i32
        %add3A_119 = arith.addi %select_n3A_118, %select_n3A_14 : i32
        %add3A_120 = arith.constant 1 : i32
        %add3A_121 = arith.addi %select_n3A_99, %add3A_120 : i32
        %select_n3A_122 = arith.constant true
        %select_n3A_123 = arith.select %select_n3A_122, %add3A_121, %select_n3A_99 : i32
        %eq3A_124 = arith.cmpi eq, %select_n3A_123, %select_n3A : i32
        %select_n3A_125 = arith.constant 0 : i32
        %select_n3A_126 = arith.select %eq3A_124, %select_n3A_125, %select_n3A_123 : i32
        %add3A_127 = arith.addi %select_n3A_126, %select_n3A_14 : i32
        %add3A_128 = arith.constant 1 : i32
        %add3A_129 = arith.addi %select_n3A_126, %add3A_128 : i32
        %select_n3A_130 = arith.constant true
        %select_n3A_131 = arith.select %select_n3A_130, %add3A_129, %select_n3A_126 : i32
        %eq3A_132 = arith.cmpi eq, %select_n3A_131, %select_n3A : i32
        %select_n3A_133 = arith.constant 0 : i32
        %select_n3A_134 = arith.select %eq3A_132, %select_n3A_133, %select_n3A_131 : i32
        %add3A_135 = arith.addi %select_n3A_134, %select_n3A_14 : i32
        %convert_element_type3A_136 = arith.extui %eq3A_108 : i1 to i32
        %cond3A_137 = arith.constant 0 : i32
        %cond3A_138 = arith.cmpi ne, %convert_element_type3A_136, %cond3A_137 : i32
        scf.if %cond3A_138 {
        } else {
        }
        %convert_element_type3A_139 = arith.extui %eq3A_108 : i1 to i32
        %cond3A_140 = arith.constant 0 : i32
        %cond3A_141 = arith.cmpi ne, %convert_element_type3A_139, %cond3A_140 : i32
        scf.if %cond3A_141 {
          "tpu.trace_start"() <{level = 10 : i32, message = "ep_finalize"}> : () -> ()
          %rem3A_142 = arith.constant 2 : i32
          %rem3A_143 = arith.remui %while3A_90#3, %rem3A_142 : i32
          %mul3A_144 = arith.constant 128 : i32
          %mul3A_145 = arith.muli %mul3A_144, %add3A_109 : i32
          %dma_wait3A = arith.constant 0 : i32
          %dma_wait3A_146 = arith.constant 0 : i32
          %dma_wait3A_147 = tpu.memref_slice %run_scoped3A_18[%rem3A_143, %dma_wait3A, %dma_wait3A_146] : memref<2x128x16xf32, #tpu.memory_space<vmem>> -> memref<1x128x16xf32, #tpu.memory_space<vmem>>
          %dma_wait3A_148 = tpu.memref_squeeze %dma_wait3A_147 : memref<1x128x16xf32, #tpu.memory_space<vmem>> -> memref<128x16xf32, #tpu.memory_space<vmem>>
          %dma_wait3A_149 = arith.constant 0 : i32
          %dma_wait3A_150 = tpu.memref_slice %arg4[%mul3A_145, %dma_wait3A_149] : memref<320000x16xf32, #tpu.memory_space<hbm>> -> memref<128x16xf32, #tpu.memory_space<hbm>>
          %dma_wait3A_151 = tpu.memref_slice %run_scoped3A_19[%rem3A_143] : memref<2x!tpu.dma_semaphore, #tpu.memory_space<semaphore_mem>> -> memref<1x!tpu.dma_semaphore, #tpu.memory_space<semaphore_mem>>
          %dma_wait3A_152 = tpu.memref_squeeze %dma_wait3A_151 : memref<1x!tpu.dma_semaphore, #tpu.memory_space<semaphore_mem>> -> memref<!tpu.dma_semaphore, #tpu.memory_space<semaphore_mem>>
          %dma_wait3A_153 = arith.constant 0 : i32
          %dma_wait3A_154 = tpu.memref_slice %arg4[%mul3A_145, %dma_wait3A_153] : memref<320000x16xf32, #tpu.memory_space<hbm>> -> memref<128x16xf32, #tpu.memory_space<hbm>>
          %dma_wait3A_155 = arith.constant 0 : i32
          %dma_wait3A_156 = arith.constant 0 : i32
          %dma_wait3A_157 = tpu.memref_slice %run_scoped3A_18[%rem3A_143, %dma_wait3A_155, %dma_wait3A_156] : memref<2x128x16xf32, #tpu.memory_space<vmem>> -> memref<1x128x16xf32, #tpu.memory_space<vmem>>
          %dma_wait3A_158 = tpu.memref_squeeze %dma_wait3A_157 : memref<1x128x16xf32, #tpu.memory_space<vmem>> -> memref<128x16xf32, #tpu.memory_space<vmem>>
          tpu.wait_dma2 semaphore(%dma_wait3A_152 : memref<!tpu.dma_semaphore, #tpu.memory_space<semaphore_mem>>) src(%dma_wait3A_158 : memref<128x16xf32, #tpu.memory_space<vmem>>) dst(%dma_wait3A_154 : memref<128x16xf32, #tpu.memory_space<hbm>>)
          "tpu.trace_stop"() : () -> ()
        } else {
        }
      } else {
      }
      tpu.yield
    }) : () -> ()
    return
  }
}

</mosaic_0001>

<sc_bundles>
// kernel: _sc_gather.3.cloned.1.call-start
scs
__scs_entry_jumppad:
0x0: {  	(pc) =	sbr.rel $0x88, $3  }
0x1: {  	(tag) =	ssettag $0x0;
	lr =	simm.s32 $0x1  }
0x2: {  	[smem:$0x3F9F] =	sst lr;
	_ =	strace $0xD0000000  }
0x3: {  	_ = 	snop  }
0x4: {  	_ = 	snop  }
0x5: {  	_ = 	snop  }
0x6: {  	_ = 	snop  }
0x7: {  	_ = 	snop  }
__scs_overlays_trampoline_lowered:
0x8: {  	[smem:$0x3FAE] =	sst s0  }
0x9: {  	[smem:$0x3FAF] =	sst s1  }
0xa: {  	[smem:$0x3FB0] =	sst s2  }
0xb: {  	[smem:$0x3FB1] =	sst s3  }
0xc: {  	[smem:$0x3FB2] =	sst s4  }
0xd: {  	[smem:$0x3FB3] =	sst s5  }
0xe: {  	[smem:$0x3FB4] =	sst s6  }
0xf: {  	[smem:$0x3FB5] =	sst s7  }
0x10: {  	[smem:$0x3FB6] =	sst s8  }
0x11: {  	[smem:$0x3FB7] =	sst s9;
	s0 =	simm.s32 @!p0 $0x0  }
0x12: {  	s1 =	sld [smem:$0x3F9D];
	s0 =	simm.s32 @p0 $0x1  }
0x13: {  	[smem:$0x3FB8] =	sst s0;
	s0 =	simm.s32 @!p1 $0x0  }
0x14: {  	s2 =	sld [smem:$0x3F9C];
	s0 =	simm.s32 @p1 $0x1  }
0x15: {  	[smem:$0x3FB9] =	sst s0;
	s0 =	simm.s32 @!p2 $0x0  }
0x16: {  	s3 =	sld [smem:$0x3FDB];
	s0 =	simm.s32 @p2 $0x1  }
0x17: {  	s4 =	simm.s32 $0x1BF5;
	[smem:$0x3FBB] =	sst s0  }
0x18: {  	s0 =	sld [smem:$0x3F9E];
	_ =	swait.ge [sflag:s4], $0x0  }
0x19: {  	s7 =	sld [smem:$0x3F9F]  }
0x1a: {  	s8 =	sadd.s32 $0xFFFFE003, lr  }
0x1b: {  	s9 =	sadd.s32 $0xFFFFFEF7, lr;
	s5 =	simm.s32 $0xFFFFFFFF;
	p2 =	slt.u32 s8, $0xFFFFF086  }
0x1c: {  	p1 =	slt.u32 s9, $0xF7A;
	s5 =	simm.s32 @!p2 $0x0  }
0x1d: {  	s5 =	simm.s32 @p1 $0x1;
	p0 =	seq.s32 s7, s2  }
0x1e: {  	s7 =	smul.u32 @!p0 $0xF7A, s2;
	p2 =	seq.s32 @!p0 s5, $0x0  }
0x1f: {  	s9 =	smul.u32 $0xF7A, s1;
	s8 =	simm.s32 @!p0 $0x1BF5;
	p2 =	por !p2, p0  }
0x20: {  	[sflag:s8] =	ssyncset.s32 @!p0 $0xFFFFF086;
	s6 =	sadd.s32 @!p0 s3, s7;
	s7 =	simm.s32 @!p0 $0x108  }
0x21: {  	s3 =	sadd.s32 s3, s9;
	s6 =	sadd.s32 @!p0 $0x88, s6;
	s7 =	simm.s32 @p2 $0x1082  }
0x22: {  	[simem:s7], [sflag:s8] =	dma.local @!p0 [hbm:s6], $0xF7A  }
0x23: {  	s9 =	sor.u32 $0xD0000000, s2;
	s6 =	simm.s32 $0x108;
	_ =	swait.ge @!p0 [sflag:s8], $0x0  }
0x24: {  	s3 =	sadd.s32 $0x88, s3;
	s6 =	simm.s32 @!p1 $0x1082;
	[sflag:s4] =	ssyncset.s32 $0xFFFFF086  }
0x25: {  	[simem:s6], [sflag:s4] =	dma.local [hbm:s3], $0xF7A  }
0x26: {  	[smem:$0x3F9F] =	sst s1;
	(tag) =	ssettag s2;
	_ =	strace s9  }
0x27: {  	s1 =	sld [smem:$0x3FAF]  }
0x28: {  	s2 =	sld [smem:$0x3FB0]  }
0x29: {  	s4 =	sld [smem:$0x3FB2]  }
0x2a: {  	p0 =	seq.s32 s5, $0x0;
	s5 =	sld [smem:$0x3FB3]  }
0x2b: {  	s6 =	sld [smem:$0x3FB4]  }
0x2c: {  	s7 =	sld [smem:$0x3FB5]  }
0x2d: {  	s3 =	simm.s32 $0x108;
	s8 =	sld [smem:$0x3FB6]  }
0x2e: {  	s3 =	simm.s32 @!p0 $0x1082;
	s9 =	sld [smem:$0x3FB7]  }
0x2f: {  	lr =	sadd.s32 s0, s3;
	s0 =	sld [smem:$0x3FAE]  }
0x30: {  	s3 =	sld [smem:$0x3FB1]  }
0x31: {  	[smem:$0x3FBA] =	sst s10  }
0x32: {  	s10 =	sld [smem:$0x3FB8];
	_ =	sdelay $0x3  }
0x33: {  	p0 =	seq.s32 s10, $0x1;
	s10 =	sld [smem:$0x3FBA];
	_ =	sdelay $0x3  }
0x34: {  	[smem:$0x3FBA] =	sst s10  }
0x35: {  	s10 =	sld [smem:$0x3FB9];
	_ =	sdelay $0x3  }
0x36: {  	p1 =	seq.s32 s10, $0x1;
	s10 =	sld [smem:$0x3FBA];
	_ =	sdelay $0x3  }
0x37: {  	[smem:$0x3FBA] =	sst s10  }
0x38: {  	s10 =	sld [smem:$0x3FBB]  }
0x39: {  	_ = 	snop;
	(pc) =	sbr.ind lr, $3  }
0x3a: {  	_ = 	snop  }
0x3b: {  	_ = 	snop  }
0x3c: {  	p2 =	seq.s32 s10, $0x1;
	s10 =	sld [smem:$0x3FBA]  }
0x3d: {  	_ =	shalt  }
0x3e: {  	_ =	shalt  }
0x3f: {  	_ =	shalt  }
0x40: {  	_ =	shalt  }
0x41: {  	_ =	shalt  }
0x42: {  	_ =	shalt  }
0x43: {  	_ =	shalt  }
0x44: {  	_ =	shalt  }
0x45: {  	_ =	shalt  }
0x46: {  	_ =	shalt  }
0x47: {  	_ =	shalt  }
0x48: {  	_ =	shalt  }
0x49: {  	_ =	shalt  }
0x4a: {  	_ =	shalt  }
0x4b: {  	_ =	shalt  }
0x4c: {  	_ =	shalt  }
0x4d: {  	_ =	shalt  }
0x4e: {  	_ =	shalt  }
0x4f: {  	_ =	shalt  }
0x50: {  	_ =	shalt  }
0x51: {  	_ =	shalt  }
0x52: {  	_ =	shalt  }
0x53: {  	_ =	shalt  }
0x54: {  	_ =	shalt  }
0x55: {  	_ =	shalt  }
0x56: {  	_ =	shalt  }
0x57: {  	_ =	shalt  }
0x58: {  	_ =	shalt  }
0x59: {  	_ =	shalt  }
0x5a: {  	_ =	shalt  }
0x5b: {  	_ =	shalt  }
0x5c: {  	_ =	shalt  }
0x5d: {  	_ =	shalt  }
0x5e: {  	_ =	shalt  }
0x5f: {  	_ =	shalt  }
0x60: {  	_ =	shalt  }
0x61: {  	_ =	shalt  }
0x62: {  	_ =	shalt  }
0x63: {  	_ =	shalt  }
0x64: {  	_ =	shalt  }
0x65: {  	_ =	shalt  }
0x66: {  	_ =	shalt  }
0x67: {  	_ =	shalt  }
0x68: {  	_ =	shalt  }
0x69: {  	_ =	shalt  }
0x6a: {  	_ =	shalt  }
0x6b: {  	_ =	shalt  }
0x6c: {  	_ =	shalt  }
0x6d: {  	_ =	shalt  }
0x6e: {  	_ =	shalt  }
0x6f: {  	_ =	shalt  }
0x70: {  	_ =	shalt  }
0x71: {  	_ =	shalt  }
0x72: {  	_ =	shalt  }
0x73: {  	_ =	shalt  }
0x74: {  	_ =	shalt  }
0x75: {  	_ =	shalt  }
0x76: {  	_ =	shalt  }
0x77: {  	_ =	shalt  }
0x78: {  	_ =	shalt  }
0x79: {  	_ =	shalt  }
0x7a: {  	_ =	shalt  }
0x7b: {  	_ =	shalt  }
0x7c: {  	_ =	shalt  }
0x7d: {  	_ =	shalt  }
0x7e: {  	_ =	shalt  }
0x7f: {  	_ =	shalt  }
0x80: {  	_ =	shalt  }
0x81: {  	_ =	shalt  }
0x82: {  	_ =	shalt  }
0x83: {  	_ =	shalt  }
0x84: {  	_ =	shalt  }
0x85: {  	_ =	shalt  }
0x86: {  	_ =	shalt  }
0x87: {  	_ =	shalt  }
.Lfunc_end0:
.L_simem_size_0:
called_computation_lowered:
.L_overlay_start_0:
0x88: {  	s2 =	sld [smem:$0x3FD9]  }
0x89: {  	s3 =	sld [smem:$0x3FFE];
	_ =	sdelay $0x1  }
0x8a: {  	s1 =	srdreg.scid  }
0x8b: {  	s0 =	sand.u32 $0x1, s1  }
0x8c: {  	s17 =	sshll.u32 s0, $0xA;
	s2 =	sadd.s32 s3, s2  }
0x8d: {  	s2 =	sadd.s32 s2, s17  }
0x8e: {  	[smem:$0x3FC6] =	sst s2  }
0x8f: {  	_ = 	snop  }
0x90: {  	s2 =	sld [smem:$0x3FC8]  }
0x91: {  	s18 =	sld [smem:$0x3FD0];
	(tm) =	ssettm $0x1  }
0x92: {  	s4 =	sld [smem:$0x3FFB];
	_ =	sdelay $0x3  }
0x93: {  	_ =	strace s4  }
0x94: {  	s4 =	sld [smem:$0x3FFC];
	_ =	sdelay $0x3  }
0x95: {  	_ =	strace s4  }
0x96: {  	s4 =	sld [smem:$0x3FFD];
	_ =	sdelay $0x3  }
0x97: {  	_ =	strace s4  }
0x98: {  	_ =	strace $0x8FFFFFFF  }
0x99: {  	s19 =	sld [smem:$0x3FDB];
	_ =	sdelay $0x1  }
0x9a: {  	s5 =	simm.s32 $_scs_section_size  }
0x9b: {  	s6 =	simm.s32 $_size__tile_overlayer_lowered;
	s7 =	simm.s32 $_tile_overlayer_lowered  }
0x9c: {  	s22 =	simm.s32 $0x1BFF;
	s21 =	sshll.u32 s7, $0x1;
	s4 =	sadd.s32 s5, s19  }
0x9d: {  	s8 =	simm.s32 $0x0;
	s20 =	sshll.u32 s6, $0x1;
	s6 =	sadd.s32 s21, s4  }
0x9e: {  	[timem:s8], [sflag:s22] =	dma.local [hbm:s6], s20  }
0x9f: {  	_ =	swait.ge [sflag:s22], s20  }
0xa0: {  	s5 =	ssub.s32 $0x0, s20;
	[sflag:s22] =	ssyncset.done $0x0  }
0xa1: {  	[sflag:s22] =	ssyncadd.s32 s5;
	_ =	sdelay $0x1  }
0xa2: {  	s23 =	simm.s32 $0x1B8B  }
0xa3: {  	_ =	swait.ge [sflag:s23], $0x1  }
0xa4: {  	[sflag:s23] =	ssyncset.done $0x0  }
0xa5: {  	s25 =	simm.s32 $0x1B8E;
	s24 =	sld [smem:$0x3FFE];
	[sflag:s23] =	ssyncadd.s32 $0xFFFFFFFF  }
0xa6: {  	s26 =	simm.s32 $execute0_lowered;
	[smem:$0x3FD2] =	sst s25  }
0xa7: {  	s6 =	sshll.u32 s26, $0x1;
	_ =	strace $0x80000046;
	[dreg:$0x1] =	wrdreg $0xFFFFFFFF  }
0xa8: {  	s28 =	simm.s32 $_size_execute0_lowered;
	s4 =	sadd.s32 s4, s6;
	[dreg:$0x0] =	wrdreg $0x0  }
0xa9: {  	s6 =	sshll.u32 s28, $0x1;
	[dreg:$0x2] =	wrdreg s4  }
0xaa: {  	[dreg:$0x3] =	wrdreg s6  }
0xab: {  	[dreg:$0x4] =	wrdreg $0xC0  }
0xac: {  	_ =	task [dreg:s8], $0x5FFFF  }
0xad: {  	[dreg:$0x1] =	wrdreg $0xFFFFFFFF  }
0xae: {  	[dreg:$0x0] =	wrdreg $0x60  }
0xaf: {  	[dreg:$0x2] =	wrdreg s24  }
0xb0: {  	[dreg:$0x3] =	wrdreg s2  }
0xb1: {  	[dreg:$0x4] =	wrdreg s18  }
0xb2: {  	[dreg:$0x5] =	wrdreg $0x9  }
0xb3: {  	_ =	task.clear_ibuf [dreg:s8], $0x6FFFF;
	_ =	strace $0x90000046  }
0xb4: {  	s29 =	simm.s32 $0x9;
	_ =	strace $0x8000004F  }
0xb5: {  	_ =	swait.ge [sflag:s29], $0x1  }
0xb6: {  	[sflag:s29] =	ssyncadd.s32 $0xFFFFFFFF  }
0xb7: {  	_ =	strace $0x9000004F  }
0xb8: {  	_ =	sfence  }
0xb9: {  	s30 =	sld [smem:$0x0];
	_ =	sdelay $0x2  }
0xba: {  	s31 =	sshll.u32 s1, $0xD;
	s1 =	sshrl.u32 s1, $0x2  }
0xbb: {  	s3 =	sand.u32 $0x4000, s31;
	s1 =	sadd.s32 s1, s30  }
0xbc: {  	s0 =	sor.u32 s3, s0;
	s1 =	sshll.u32 s1, $0x11  }
0xbd: {  	s0 =	sor.u32 s1, s0  }
0xbe: {  	s0 =	sadd.s32 $0x8F2B, s0  }
0xbf: {  	[sflag:s0] =	ssyncadd.remote.s32 $0x1  }
0xc0: {  	_ =	sfence.sel $0xFFFF  }
0xc1: {  	[dreg:$0x0] =	wrdreg $0xFFFFFFFF;
	(pc) =	sbr.abs _section_cstart, $3  }
0xc2: {  	[dreg:$0x1] =	wrdreg $0xFFFFFFFF  }
0xc3: {  	_ =	task.clear_ibuf [dreg:s8], $0x2FFFF;
	_ =	strace $0x9FFFFFFF  }
0xc4: {  	(tm) =	ssettm $0x7FFFFFFF  }
0xc5: {  	_ =	shalt  }
tec
execute0_lowered:
.L_overlay_start_1:
0x0: {  	(tag) =	ssettag $0x1  }
0x1: {  	s4 =	rddreg [dreg:$0x0]  }
0x2: {  	s0 =	rddreg [dreg:$0x1]  }
0x3: {  	s1 =	srdreg.scid;
	s2 =	rddreg [dreg:$0x2];
	s3 =	simm.s32 $0x0  }
0x4: {  	s10 =	simm.s32 $0x80;
	s5 =	sand.u32 $0x1, s1;
	[dreg:$0x6] =	wrdreg s2  }
0x5: {  	s2 =	stileid.u32;
	s1 =	rddreg [dreg:$0x3];
	s6 =	sshll.u32 s5, $0x4  }
0x6: {  	s11 =	simm.s32 $0x0;
	[smem:$0x7FF] =	sst s3;
	s6 =	sor.u32 s2, s6  }
0x7: {  	s9 =	sadd.s32 $0x400, s4;
	_ =	strace $0x80000047;
	s7 =	smul.u32 $0x4E, s6  }
0x8: {  	[dreg:$0x4] =	wrdreg s9;
	s29 =	ssub.s32 $0x2, s5;
	s8 =	smul.u32 $0x4F, s6  }
0x9: {  	s5 =	simm.s32 $0x4F;
	p0 =	slt.u32 s6, $0x4;
	s4 =	sadd.s32 $0x4, s7  }
0xa: {  	s9 =	simm.s32 $0x1;
	[dreg:$0x5] =	wrdreg s10;
	s4 =	smov.u32 @p0 s8  }
0xb: {  	s10 =	simm.s32 $0x5;
	s31 =	sshrl.u32 s29, $0x1;
	s30 =	sshll.u32 s4, $0x4  }
0xc: {  	s5 =	simm.s32 @!p0 $0x4E;
	s8 =	ssub.s32 s29, s31;
	s7 =	sand.u32 $0x1FFFFFF0, s30  }
0xd: {  	s8 =	smax.u32 s8, $0x1;
	s6 =	sadd.s32 s0, s7;
	s7 =	sadd.s32 $0xFFFFFFFF, s5  }
.LBB2_1:
0xe: {  	_ =	strace $0x80000048;
	p2 =	sne.s32 s5, $0x1  }
.Ltmp0:
0xf: {  	p0 =	seq.s32 s5, $0x1;
	s13 =	simm.s32 $0x1;
	(pc) =	sbr.rel @!p2 .LBB2_2-.Ltmp0, $4  }
0x10: {  	[tilespmem:s3], [sflag:$0x1] =	stream.linear.gather [hbm4b:s6+s3], $0x80, $0x200038;
	[tilespmem:$0x1100] =	vst v63  }
0x11: {  	s12 =	simm.s32 $0x1;
	p1 =	por $0x1, $0x1;
	s13 =	simm.s32 @p0 $0x0  }
0x12: {  	p6 =	sgt.u32 s7, $0x0;
	p4 =	por p1, p1;
	p3 =	sne.s32 s13, $0x0  }
0x13: {  	_ =	strace $0x90000048;
	p5 =	por !p6, !p3;
	p6 =	por $0x0, $0x0  }
0x14: {  	p2 =	por !p5, !p5  }
0x15: {  	s21 =	sand.u32 $0x1, s3;
	s19 =	simm.s32 $0x2;
	s14 =	sadd.s32 @p2 s4, s13  }
0x16: {  	p1 =	por p3, p3;
	s15 =	sand.u32 @p2 $0x1, s9;
	s14 =	sshll.u32 @p2 s14, $0x4  }
0x17: {  	_ =	strace @p2 $0x80000049;
	s17 =	simm.s32 @p2 $0x0;
	s14 =	sand.u32 @p2 $0x1FFFFFF0, s14  }
0x18: {  	s16 =	sshll.u32 @p2 s15, $0x7;
	s15 =	sadd.s32 @p2 $0x1, s15;
	s14 =	sadd.s32 @p2 s0, s14  }
0x19: {  	[tilespmem:s16], [sflag:s15] =	stream.linear.gather @p2 [hbm4b:s14+s17], $0x80, $0x200038;
	[tilespmem:$0x1100] =	vst v63  }
0x1a: {  	s30 =	simm.s32 $0x0;
	p6 =	por $0x0, $0x0;
	_ =	strace @p2 $0x90000049  }
0x1b: {  	p0 =	sne.s32 s5, $0x2;
	s29 =	sadd.s32 $0x1, s21;
	_ =	strace $0x8000004A  }
0x1c: {  	s24 =	sadd.s32 $0x0, s4;
	p5 =	sgt.u32 s7, $0x1;
	_ =	swait.ge [sflag:s29], $0x80  }
0x1d: {  	s23 =	simm.s32 $0x1;
	s22 =	sshll.u32 s21, $0xB;
	[sflag:s29] =	ssyncset.done $0x0  }
0x1e: {  	s22 =	sor.u32 $0x100, s22;
	s16 =	sand.u32 @!p4 $0x1, s3;
	[sflag:s29] =	ssyncadd.s32 $0xFFFFFF80  }
0x1f: {  	s15 =	simm.s32 $0x1;
	s17 =	sadd.s32 $0x1, s13;
	_ =	strace $0x9000004A  }
0x20: {  	s14 =	sand.u32 $0x80, s30;
	s15 =	simm.s32 @!p2 $0x0;
	_ =	strace $0x8000004B  }
0x21: {  	p2 =	por p4, p4;
	p4 =	por p6, p6;
	s20 =	rddreg [dreg:$0x5]  }
0x22: {  	p3 =	seq.s32 s17, s5;
	p6 =	seq.s32 s7, $0x0;
	s31 =	rddreg [dreg:$0x4]  }
0x23: {  	[tilespmem:s22], [sflag:$0x5] =	stream.indirect.gather [hbm4b:s31+s20], $0x10, s14, s20, $0x2000b8;
	[tilespmem:$0x1100] =	vst v63  }
.Ltmp1:
0x24: {  	s18 =	sadd.s32 $0x1, s15;
	s17 =	simm.s32 @p3 $0x0;
	(pc) =	sbr.rel @!p0 .LBB2_4-.Ltmp1, $4  }
0x25: {  	p1 =	por p6, p1;
	p6 =	por $0x0, $0x0;
	_ =	swait.ge [sflag:s10], $0x800  }
0x26: {  	s15 =	simm.s32 $0x0;
	p3 =	sne.s32 s13, s17;
	[sflag:s10] =	ssyncset.done $0x0  }
0x27: {  	s23 =	simm.s32 @!p6 $0x0;
	p5 =	por !p5, !p3;
	[sflag:s10] =	ssyncadd.s32 $0xFFFFF800  }
0x28: {  	s14 =	simm.s32 $0x0;
	s20 =	simm.s32 $0x0;
	_ =	strace $0x9000004B  }
.LBB2_5:
0x29: {  	_ =	strace @p1 $0x8000004C;
	s14 =	sadd.s32 s23, s14;
	s23 =	smov.u32 s12  }
0x2a: {  	s12 =	smov.u32 s19;
	s19 =	sadd.s32 $0x1, s19;
	p0 =	por p3, p3  }
0x2b: {  	s29 =	sshll.u32 @p1 s24, $0x8;
	s21 =	sadd.s32 @p1 $0x3, s21;
	s25 =	simm.s32 @!p0 $0x0  }
0x2c: {  	s26 =	rddreg [dreg:$0x6];
	s29 =	sand.u32 @p1 $0x1FFFFF00, s29;
	s25 =	simm.s32 @p0 $0x1  }
0x2d: {  	s26 =	sadd.s32 @p1 s26, s29;
	s29 =	simm.s32 @p1 $0x0;
	p0 =	sne.s32 s5, s19  }
0x2e: {  	[hbm4b:s26+s29] =	stream.linear.scatter @p1 [tilespmem:s22], [sflag:s21], $0x800, $0x200038;
	[tilespmem:$0x1100] =	vst v63  }
0x2f: {  	s21 =	sadd.s32 @!p2 $0x3, s16;
	s16 =	simm.s32 @!p0 $0x0  }
0x30: {  	s28 =	simm.s32 $0x1;
	[smem:$0x7FC] =	sst s25;
	s16 =	simm.s32 @p0 $0x1  }
0x31: {  	s28 =	simm.s32 @!p1 $0x0;
	_ =	strace @p1 $0x9000004C;
	[smem:$0x7FD] =	sst s16  }
0x32: {  	s20 =	sadd.s32 s28, s20;
	s25 =	sand.u32 @!p4 $0x1, s14;
	_ =	strace @!p2 $0x8000004D  }
0x33: {  	p1 =	por !p5, !p5;
	s16 =	smov.u32 s25;
	_ =	swait.ge @!p2 [sflag:s21], $0x800  }
0x34: {  	s22 =	sand.u32 @p1 $0x1, s18;
	s25 =	sadd.s32 @p1 s4, s17;
	[sflag:s21] =	ssyncset.done @!p2 $0x0  }
0x35: {  	s26 =	sshll.u32 @p1 s22, $0x7;
	s25 =	sshll.u32 @p1 s25, $0x4;
	[sflag:s21] =	ssyncadd.s32 @!p2 $0xFFFFF800  }
0x36: {  	s21 =	sadd.s32 @p1 $0x1, s22;
	s22 =	sand.u32 @p1 $0x1FFFFFF0, s25;
	_ =	strace @!p2 $0x9000004D  }
0x37: {  	s25 =	simm.s32 @p1 $0x0;
	s22 =	sadd.s32 @p1 s0, s22;
	_ =	strace @p1 $0x80000049  }
0x38: {  	[tilespmem:s26], [sflag:s21] =	stream.linear.gather @p1 [hbm4b:s22+s25], $0x80, $0x200038;
	[tilespmem:$0x1100] =	vst v63  }
0x39: {  	s15 =	sadd.s32 s28, s15;
	s28 =	sand.u32 $0x1, s20;
	_ =	strace @p1 $0x90000049  }
0x3a: {  	s28 =	sadd.s32 $0x1, s28;
	_ =	strace $0x8000004A  }
0x3b: {  	_ =	swait.ge [sflag:s28], $0x80  }
0x3c: {  	[sflag:s28] =	ssyncset.done $0x0  }
0x3d: {  	s21 =	simm.s32 $0x1;
	[sflag:s28] =	ssyncadd.s32 $0xFFFFFF80  }
0x3e: {  	s21 =	simm.s32 @!p1 $0x0;
	_ =	strace $0x9000004A  }
0x3f: {  	s18 =	sadd.s32 s21, s18;
	s21 =	sand.u32 $0x1, s15;
	_ =	strace $0x8000004B  }
0x40: {  	s31 =	sshll.u32 s20, $0x7;
	s29 =	sshll.u32 s21, $0xB;
	s25 =	rddreg [dreg:$0x5]  }
0x41: {  	s31 =	sand.u32 $0x80, s31;
	s22 =	sor.u32 $0x100, s29;
	s26 =	rddreg [dreg:$0x4]  }
0x42: {  	[tilespmem:s22], [sflag:$0x5] =	stream.indirect.gather [hbm4b:s26+s25], $0x10, s31, s25, $0x2000b8;
	[tilespmem:$0x1100] =	vst v63  }
0x43: {  	_ =	swait.ge [sflag:s10], $0x800  }
0x44: {  	[sflag:s10] =	ssyncset.done $0x0  }
0x45: {  	[sflag:s10] =	ssyncadd.s32 $0xFFFFF800  }
0x46: {  	s30 =	sadd.s32 $0x1, s17;
	_ =	strace $0x9000004B  }
0x47: {  	s24 =	sadd.s32 s4, s13;
	s13 =	smov.u32 s17;
	s31 =	sld [smem:$0x7FD]  }
0x48: {  	p0 =	sne.s32 s23, $0x0;
	s17 =	smov.u32 s30;
	p1 =	seq.s32 s30, s5  }
0x49: {  	s17 =	simm.s32 @p1 $0x0;
	p1 =	seq.s32 s7, s23;
	s23 =	simm.s32 $0x1  }
0x4a: {  	s23 =	simm.s32 @!p0 $0x0;
	p0 =	seq.s32 s31, $0x1  }
.Ltmp2:
0x4b: {  	s30 =	sld [smem:$0x7FC];
	(pc) =	sbr.rel @p0 .LBB2_5-.Ltmp2, $4  }
0x4c: {  	p3 =	seq.s32 s12, $0x0  }
0x4d: {  	p6 =	por p3, p3;
	p5 =	slt.u32 s12, s7  }
0x4e: {  	p2 =	por p4, p4;
	p3 =	sne.s32 s13, s17;
	p4 =	seq.s32 s30, $0x1  }
0x4f: {  	p5 =	por !p5, !p3;
	p1 =	por p1, p4;
	p4 =	por p6, p6  }
0x50: {  	p6 =	por $0x1, $0x1  }
.LBB2_7:
0x51: {  	p0 =	por !p1, !p6  }
0x52: {  	s25 =	simm.s32 $0x1;
	_ =	strace @!p0 $0x8000004C;
	s24 =	sshll.u32 @!p0 s24, $0x8  }
0x53: {  	p2 =	por p2, !p6;
	s19 =	rddreg [dreg:$0x6];
	s24 =	sand.u32 @!p0 $0x1FFFFF00, s24  }
0x54: {  	s21 =	sadd.s32 @!p0 $0x3, s21;
	s19 =	sadd.s32 @!p0 s19, s24;
	s24 =	simm.s32 @!p0 $0x0  }
0x55: {  	[hbm4b:s19+s24] =	stream.linear.scatter @!p0 [tilespmem:s22], [sflag:s21], $0x800, $0x200038;
	[tilespmem:$0x1100] =	vst v63  }
0x56: {  	p1 =	por !p5, !p5;
	s25 =	simm.s32 @p0 $0x0;
	_ =	strace @!p0 $0x9000004C  }
0x57: {  	s16 =	sadd.s32 @!p2 $0x3, s16;
	s17 =	sadd.s32 @p1 s4, s17;
	_ =	strace @!p2 $0x8000004D  }
0x58: {  	s18 =	sand.u32 @p1 $0x1, s18;
	s17 =	sshll.u32 @p1 s17, $0x4;
	_ =	swait.ge @!p2 [sflag:s16], $0x800  }
0x59: {  	s17 =	sand.u32 @p1 $0x1FFFFFF0, s17;
	s19 =	sadd.s32 @p6 s25, s20;
	[sflag:s16] =	ssyncset.done @!p2 $0x0  }
0x5a: {  	s20 =	simm.s32 $0x0;
	s17 =	sadd.s32 @p1 s0, s17;
	[sflag:s16] =	ssyncadd.s32 @!p2 $0xFFFFF800  }
0x5b: {  	s20 =	smov.u32 @p6 s19;
	s19 =	sshll.u32 @p1 s18, $0x7;
	_ =	strace @!p2 $0x9000004D  }
0x5c: {  	s16 =	sadd.s32 @p1 $0x1, s18;
	s18 =	simm.s32 @p1 $0x0;
	_ =	strace @p1 $0x80000049  }
0x5d: {  	[tilespmem:s19], [sflag:s16] =	stream.linear.gather @p1 [hbm4b:s17+s18], $0x80, $0x200038;
	[tilespmem:$0x1100] =	vst v63  }
0x5e: {  	s26 =	sand.u32 $0x1, s20;
	_ =	strace @p1 $0x90000049  }
0x5f: {  	s16 =	sadd.s32 $0x1, s26;
	_ =	strace $0x8000004A  }
0x60: {  	_ =	swait.ge [sflag:s16], $0x80  }
0x61: {  	[sflag:s16] =	ssyncset.done $0x0  }
0x62: {  	s15 =	sadd.s32 @p6 s25, s15;
	[sflag:s16] =	ssyncadd.s32 $0xFFFFFF80;
	s16 =	simm.s32 $0x0  }
0x63: {  	_ =	strace $0x9000004A;
	s16 =	smov.u32 @p6 s15  }
0x64: {  	_ =	strace $0x8000004B;
	s16 =	sand.u32 $0x1, s16  }
0x65: {  	s30 =	sshll.u32 s20, $0x7;
	s28 =	rddreg [dreg:$0x5];
	s31 =	sshll.u32 s16, $0xB  }
0x66: {  	s18 =	sand.u32 $0x80, s30;
	s29 =	rddreg [dreg:$0x4];
	s19 =	sor.u32 $0x100, s31  }
0x67: {  	[tilespmem:s19], [sflag:$0x5] =	stream.indirect.gather [hbm4b:s29+s28], $0x10, s18, s28, $0x2000b8;
	[tilespmem:$0x1100] =	vst v63  }
0x68: {  	_ =	swait.ge [sflag:s10], $0x800  }
0x69: {  	p3 =	por p3, p3;
	[sflag:s10] =	ssyncset.done $0x0  }
0x6a: {  	p5 =	seq.s32 s7, s12;
	s13 =	sadd.s32 s4, s13;
	[sflag:s10] =	ssyncadd.s32 $0xFFFFF800  }
0x6b: {  	s14 =	sadd.s32 @p6 s23, s14;
	p1 =	por p5, p3;
	_ =	strace $0x9000004B  }
0x6c: {  	s17 =	simm.s32 $0x0;
	s13 =	sshll.u32 @p1 s13, $0x8;
	_ =	strace @p1 $0x8000004C  }
0x6d: {  	s17 =	smov.u32 @p6 s14;
	s13 =	sand.u32 @p1 $0x1FFFFF00, s13;
	s15 =	rddreg [dreg:$0x6]  }
0x6e: {  	s14 =	sadd.s32 @p1 $0x3, s16;
	s13 =	sadd.s32 @p1 s15, s13;
	s15 =	simm.s32 @p1 $0x0  }
0x6f: {  	[hbm4b:s13+s15] =	stream.linear.scatter @p1 [tilespmem:s19], [sflag:s14], $0x800, $0x200038;
	[tilespmem:$0x1100] =	vst v63  }
0x70: {  	p0 =	por p4, p4;
	s13 =	sand.u32 @!p4 $0x1, s17;
	_ =	strace @p1 $0x9000004C  }
0x71: {  	s13 =	sadd.s32 @!p0 $0x3, s13;
	_ =	strace @!p0 $0x8000004D  }
0x72: {  	p1 =	sne.s32 s12, $0x0;
	s12 =	simm.s32 $0x1;
	_ =	swait.ge @!p0 [sflag:s13], $0x800  }
0x73: {  	s12 =	simm.s32 @!p1 $0x0;
	[sflag:s13] =	ssyncset.done @!p0 $0x0  }
0x74: {  	s11 =	sadd.s32 $0x1, s11;
	s12 =	sadd.s32 s12, s17;
	[sflag:s13] =	ssyncadd.s32 @!p0 $0xFFFFF800  }
0x75: {  	s12 =	sand.u32 $0x1, s12;
	_ =	strace @!p0 $0x9000004D;
	p0 =	sne.s32 s11, s8  }
.Ltmp3:
0x76: {  	s12 =	sadd.s32 $0x3, s12;
	_ =	strace $0x8000004E;
	(pc) =	sbr.rel @p0 .LBB2_1-.Ltmp3, $4  }
.Ltmp4:
0x77: {  	_ =	swait.ge [sflag:s12], $0x800;
	(pc) =	sbr.rel @!p0 .LBB2_8-.Ltmp4, $4  }
0x78: {  	[sflag:s12] =	ssyncset.done $0x0  }
0x79: {  	[sflag:s12] =	ssyncadd.s32 $0xFFFFF800  }
0x7a: {  	_ =	strace $0x9000004E  }
0x7b: {  	_ = 	snop  }
.LBB2_2:
.Ltmp5:
0x7c: {  	(pc) =	sbr.rel .LBB2_7-.Ltmp5, $4  }
0x7d: {  	_ = 	snop  }
0x7e: {  	s14 =	simm.s32 $0x0  }
0x7f: {  	s12 =	simm.s32 $0x0;
	s15 =	simm.s32 $0x0;
	s17 =	smov.u32 s13  }
0x80: {  	s20 =	simm.s32 $0x0;
	s18 =	simm.s32 $0x1;
	s13 =	simm.s32 $0x0  }
.LBB2_4:
.Ltmp6:
0x81: {  	(pc) =	sbr.rel .LBB2_7-.Ltmp6, $3  }
0x82: {  	_ =	sdelay $0x1  }
0x83: {  	s14 =	simm.s32 $0x0  }
0x84: {  	s15 =	simm.s32 $0x0;
	s20 =	simm.s32 $0x0;
	p6 =	por $0x1, $0x1  }
.LBB2_8:
0x85: {  	_ =	sfence.sel $0x180000  }
0x86: {  	[bflag:$0x0] =	sbarrier.arrive $0xFFFF  }
0x87: {  	p0 =	sne.s32 s2, $0x0;
	_ =	strace $0x90000047  }
0x88: {  	s0 =	sadd.s32 @!p0 $0x100000, s1;
	[bflag:$0x2] =	sbarrier.arrive $0xFFFF  }
0x89: {  	[sflag:s0] =	ssyncadd.tile.s32 @!p0 $0x1;
	_ =	shalt  }
.Lfunc_end2:
_tile_overlayer_lowered:
.L_overlay_start_2:
0x8a: {  	(tag) =	ssettag $0x2  }
0x8b: {  	s0 =	rddreg [dreg:$0x0];
	s2 =	stileid.u32  }
0x8c: {  	s1 =	rddreg [dreg:$0x1];
	p0 =	sne.s32 s2, $0x0  }
0x8d: {  	s3 =	rddreg [dreg:$0x2];
	[bflag:$0x3] =	sbarrier.arrive $0xFFFF;
	s2 =	simm.s32 @!p0 $0x1C01  }
0x8e: {  	[timem:s3], [sflag:s2] =	dma.local @!p0 [hbm:s0], s1  }
0x8f: {  	s0 =	simm.s32 @!p0 $0x1  }
0x90: {  	_ =	swait.ge @!p0 [sflag:s0], s1  }
0x91: {  	s1 =	ssub.s32 @!p0 $0x0, s1;
	[sflag:s0] =	ssyncset.done @!p0 $0x0  }
0x92: {  	[sflag:s0] =	ssyncadd.s32 @!p0 s1  }
0x93: {  	[bflag:$0x3] =	sbarrier.arrive $0xFFFF  }
0x94: {  	_ =	shalt  }

</sc_bundles>
